<compile_context>
chip_gen: v7x
topology: tpu7x:2x2x1
jax: 0.10.2.dev20260603
libtpu: 0.0.44.dev20260713+nightly
codegen_flags: <defaults>
</compile_context>

<pallas_src>
import functools

import jax
import jax.numpy as jnp
from jax.experimental.layout import Format, Layout, with_layout_constraint
from jax import lax
from jax.experimental import pallas as pl
from jax.experimental.pallas import tpu as pltpu
from jax.experimental.pallas import tpu_sc as plsc

VOCAB = 1000000
MAXLEN = 200
EMBDIM = 64
BATCH = 4096
SEQ = 200

NUM_CORES = 2
NUM_SUBCORES = 16
NUM_WORKERS = NUM_CORES * NUM_SUBCORES
SEQ_PER_WORKER = BATCH // NUM_WORKERS
ROWS_PER_CHUNK = SEQ
NCHUNK = SEQ_PER_WORKER
NBUF = 7
GD = 4
ROWS_PER_WORKER = SEQ_PER_WORKER * SEQ


def _tokposemb_body(x_hbm, tok_hbm, pos_hbm, out_hbm, pos_sh, scratch):
    buf_v = scratch["buf"]
    idx_bufs = scratch["idx"]
    sem_i, sem_p, sem_g, sem_w = (scratch[k] for k in ("si", "sp", "sg", "sw"))

    sid = lax.axis_index("s")
    wid = sid * NUM_CORES + lax.axis_index("c")
    row_base = wid * ROWS_PER_WORKER
    seq_base = wid * SEQ_PER_WORKER

    @pl.when(sid == 0)
    def _():
        pltpu.sync_copy(pos_hbm, buf_v.at[0, pl.ds(0, MAXLEN)])
        pltpu.sync_copy(buf_v.at[0, pl.ds(0, MAXLEN)], pos_sh)

    plsc.subcore_barrier()

    def chunk_rows(i):
        return row_base + i * ROWS_PER_CHUNK

    def issue_idx(i, b):
        pltpu.async_copy(x_hbm.at[seq_base + i], idx_bufs[b], sem_i.at[b])

    def wait_idx(i, b):
        pltpu.make_async_copy(x_hbm.at[seq_base + i], idx_bufs[b],
                              sem_i.at[b]).wait()

    def issue_posfill(b):
        pltpu.async_copy(pos_sh, buf_v.at[b], sem_p.at[b])

    def wait_posfill(b):
        pltpu.make_async_copy(pos_sh, buf_v.at[b], sem_p.at[b]).wait()

    def issue_gather(b):
        pltpu.async_copy(tok_hbm.at[idx_bufs[b]], buf_v.at[b], sem_g.at[b],
                         add=True)

    def wait_gather(b):
        pltpu.make_async_copy(tok_hbm.at[idx_bufs[b]], buf_v.at[b],
                              sem_g.at[b]).wait()

    def issue_wb(i, b):
        pltpu.async_copy(buf_v.at[b],
                         out_hbm.at[seq_base + i, :, pl.ds(0, EMBDIM)],
                         sem_w.at[b])

    def wait_wb(i, b):
        pltpu.make_async_copy(buf_v.at[b],
                              out_hbm.at[seq_base + i, :, pl.ds(0, EMBDIM)],
                              sem_w.at[b]).wait()

    n_steps = NCHUNK + GD + 1
    n_outer = n_steps // NBUF

    def outer(g, carry):
        for b_off in range(NBUF):
            j = g * NBUF + b_off

            @pl.when(j < NCHUNK)
            def _():
                @pl.when(j >= NBUF)
                def _():
                    wait_wb(j - NBUF, b_off)
                issue_idx(j, b_off)
                issue_posfill(b_off)

            jg = j - 1
            bg = (b_off - 1) % NBUF

            @pl.when(jnp.logical_and(jg >= 0, jg < NCHUNK))
            def _():
                wait_idx(jg, bg)
                wait_posfill(bg)
                issue_gather(bg)

            jr = j - 1 - GD
            br = (b_off - 1 - GD) % NBUF

            @pl.when(jnp.logical_and(jr >= 0, jr < NCHUNK))
            def _():
                wait_gather(br)
                issue_wb(jr, br)
        return carry

    lax.fori_loop(0, n_outer, outer, 0)

    for j in range(NCHUNK - NBUF, NCHUNK):
        wait_wb(j, j % NBUF)


def _body(x_hbm, tok_hbm, pos_hbm, out_hbm, pos_sh, buf_v,
          i0, i1, i2, i3, i4, i5, i6, sem_i, sem_p, sem_g, sem_w):
    scratch = {
        "buf": buf_v,
        "idx": [i0, i1, i2, i3, i4, i5, i6],
        "si": sem_i, "sp": sem_p, "sg": sem_g, "sw": sem_w,
    }
    _tokposemb_body(x_hbm, tok_hbm, pos_hbm, out_hbm, pos_sh, scratch)


def _tokposemb(x_flat, tok_table, pos_table):
    mesh = plsc.VectorSubcoreMesh(core_axis_name="c", subcore_axis_name="s")
    return pl.kernel(
        _body,
        out_type=jax.ShapeDtypeStruct((BATCH, SEQ, 2 * EMBDIM), jnp.float32),
        mesh=mesh,
        scratch_types=[
            pltpu.VMEM_SHARED((ROWS_PER_CHUNK, EMBDIM), jnp.float32),
            pltpu.VMEM((NBUF, ROWS_PER_CHUNK, EMBDIM), jnp.float32),
        ] + [pltpu.VMEM((ROWS_PER_CHUNK,), jnp.int32) for _ in range(NBUF)] + [
            pltpu.SemaphoreType.DMA((NBUF,)),
            pltpu.SemaphoreType.DMA((NBUF,)),
            pltpu.SemaphoreType.DMA((NBUF,)),
            pltpu.SemaphoreType.DMA((NBUF,)),
        ],
        compiler_params=pltpu.CompilerParams(use_tc_tiling_on_sc=False),
    )(x_flat, tok_table, pos_table)


def kernel(x, tok_table, pos_table):
    tok_table = with_layout_constraint(
        tok_table, Layout(major_to_minor=(0, 1), tiling=((8, 64),)))
    out_pad = _tokposemb(x.astype(jnp.int32), tok_table, pos_table)
    out = jax.lax.slice(out_pad, (0, 0, 0), (BATCH, SEQ, EMBDIM))
    return with_layout_constraint(
        out, Layout(major_to_minor=(0, 1, 2), tiling=((8, 128),)))

# --- scband reference (transcript-rebuilt; emitter-appended) ---
"""Pipeline reference for scband-tokposemb-1872605741293 (READ-ONLY COPY).

The authoritative reference and input builder live on the scoring server;
editing this copy changes nothing except your own understanding.
"""

import jax, jax.numpy as jnp
import numpy as np

VOCAB = 1000000
MAXLEN = 200
EMBDIM = 64
BATCH = 4096
SEQ = 200


def setup_inputs(seed: int = 0) -> dict:
    key = jax.random.key(seed)
    k1, k2, k3 = jax.random.split(key, 3)
    x = jax.random.randint(k1, (BATCH, SEQ), 0, VOCAB, dtype=jnp.int64 if jax.config.jax_enable_x64 else jnp.int32)
    tok_table = jax.random.normal(k2, (VOCAB, EMBDIM), dtype=jnp.float32) * 0.02
    pos_table = jax.random.normal(k3, (MAXLEN, EMBDIM), dtype=jnp.float32) * 0.02
    return {"x": x, "tok_table": tok_table, "pos_table": pos_table}


def reference(x, tok_table, pos_table):
    # token embedding lookup (gather)
    tok = jnp.take(tok_table, x, axis=0)  # [B, S, D]
    # position embedding for positions 0..S-1
    seq_len = x.shape[-1]
    pos_ids = jnp.arange(seq_len)
    pos = jnp.take(pos_table, pos_ids, axis=0)  # [S, D]
    return tok + pos[None, :, :]

if __name__ == "__main__":
    import jax
    _d = setup_inputs()
    print(jax.jit(kernel)(*tuple(_d.values())))

</pallas_src>

<mosaic_0001>
#map = affine_map<(d0, d1) -> (0, 0)>
#map1 = affine_map<(d0, d1) -> (0, 0, 0)>
module attributes {stable_mosaic.version = 14 : i64} {
  func.func @_body(%arg0: i32, %arg1: i32, %arg2: memref<4096x200xi32, #tpu.memory_space<hbm>>, %arg3: memref<1000000x64xf32, #tpu.memory_space<hbm>>, %arg4: memref<200x64xf32, #tpu.memory_space<hbm>>, %arg5: memref<4096x200x128xf32, #tpu.memory_space<hbm>>, %arg6: memref<200x64xf32, #tpu.memory_space<vmem_shared>>, %arg7: memref<7x200x64xf32, #tpu.memory_space<vmem>>, %arg8: memref<200xi32, #tpu.memory_space<vmem>>, %arg9: memref<200xi32, #tpu.memory_space<vmem>>, %arg10: memref<200xi32, #tpu.memory_space<vmem>>, %arg11: memref<200xi32, #tpu.memory_space<vmem>>, %arg12: memref<200xi32, #tpu.memory_space<vmem>>, %arg13: memref<200xi32, #tpu.memory_space<vmem>>, %arg14: memref<200xi32, #tpu.memory_space<vmem>>, %arg15: memref<7x!tpu.dma_semaphore, #tpu.memory_space<semaphore_mem>>, %arg16: memref<7x!tpu.dma_semaphore, #tpu.memory_space<semaphore_mem>>, %arg17: memref<7x!tpu.dma_semaphore, #tpu.memory_space<semaphore_mem>>, %arg18: memref<7x!tpu.dma_semaphore, #tpu.memory_space<semaphore_mem>>) attributes {dimension_semantics = [#tpu.dimension_semantics<core_parallel>, #tpu.dimension_semantics<subcore_parallel>], iteration_bounds = array<i64: 2, 16>, scalar_prefetch = 0 : i64, scratch_operands = 13 : i64, tpu.core_type = #tpu.core_type<sc_vector_subcore>, window_params = [{transform_indices = #map}, {transform_indices = #map}, {transform_indices = #map}, {transform_indices = #map1}]} {
    %mul3A = arith.constant 2 : i32
    %mul3A_0 = arith.muli %arg1, %mul3A : i32
    %add3A = arith.addi %mul3A_0, %arg0 : i32
    %mul3A_1 = arith.constant 25600 : i32
    %mul3A_2 = arith.muli %add3A, %mul3A_1 : i32
    %mul3A_3 = arith.constant 128 : i32
    %mul3A_4 = arith.muli %add3A, %mul3A_3 : i32
    %eq3A = arith.constant 0 : i32
    %eq3A_5 = arith.cmpi eq, %arg1, %eq3A : i32
    %convert_element_type3A = arith.extui %eq3A_5 : i1 to i32
    %cond3A = arith.constant 0 : i32
    %cond3A_6 = arith.cmpi ne, %convert_element_type3A, %cond3A : i32
    scf.if %cond3A_6 {
      %run_scoped3A = arith.constant 0 : i32
      "tpu.region"() ({
        %run_scoped3A_166 = tpu.sem_alloc : memref<!tpu.dma_semaphore, #tpu.memory_space<semaphore_mem>>
        %dma_start3A = arith.constant 0 : i32
        %dma_start3A_167 = arith.constant 0 : i32
        %dma_start3A_168 = tpu.memref_slice %arg7[%run_scoped3A, %dma_start3A, %dma_start3A_167] : memref<7x200x64xf32, #tpu.memory_space<vmem>> -> memref<1x200x64xf32, #tpu.memory_space<vmem>>
        %dma_start3A_169 = tpu.memref_squeeze %dma_start3A_168 : memref<1x200x64xf32, #tpu.memory_space<vmem>> -> memref<200x64xf32, #tpu.memory_space<vmem>>
        %dma_start3A_170 = arith.constant 0 : i32
        %dma_start3A_171 = arith.constant 0 : i32
        %dma_start3A_172 = tpu.memref_slice %arg7[%run_scoped3A, %dma_start3A_170, %dma_start3A_171] : memref<7x200x64xf32, #tpu.memory_space<vmem>> -> memref<1x200x64xf32, #tpu.memory_space<vmem>>
        %dma_start3A_173 = tpu.memref_squeeze %dma_start3A_172 : memref<1x200x64xf32, #tpu.memory_space<vmem>> -> memref<200x64xf32, #tpu.memory_space<vmem>>
        tpu.enqueue_dma source(%arg4 : memref<200x64xf32, #tpu.memory_space<hbm>>) target(%dma_start3A_173 : memref<200x64xf32, #tpu.memory_space<vmem>>) target_semaphore(%run_scoped3A_166 : memref<!tpu.dma_semaphore, #tpu.memory_space<semaphore_mem>>)
        %dma_wait3A_174 = arith.constant 0 : i32
        %dma_wait3A_175 = arith.constant 0 : i32
        %dma_wait3A_176 = tpu.memref_slice %arg7[%run_scoped3A, %dma_wait3A_174, %dma_wait3A_175] : memref<7x200x64xf32, #tpu.memory_space<vmem>> -> memref<1x200x64xf32, #tpu.memory_space<vmem>>
        %dma_wait3A_177 = tpu.memref_squeeze %dma_wait3A_176 : memref<1x200x64xf32, #tpu.memory_space<vmem>> -> memref<200x64xf32, #tpu.memory_space<vmem>>
        %dma_wait3A_178 = arith.constant 0 : i32
        %dma_wait3A_179 = arith.constant 0 : i32
        %dma_wait3A_180 = tpu.memref_slice %arg7[%run_scoped3A, %dma_wait3A_178, %dma_wait3A_179] : memref<7x200x64xf32, #tpu.memory_space<vmem>> -> memref<1x200x64xf32, #tpu.memory_space<vmem>>
        %dma_wait3A_181 = tpu.memref_squeeze %dma_wait3A_180 : memref<1x200x64xf32, #tpu.memory_space<vmem>> -> memref<200x64xf32, #tpu.memory_space<vmem>>
        tpu.wait_dma2 semaphore(%run_scoped3A_166 : memref<!tpu.dma_semaphore, #tpu.memory_space<semaphore_mem>>) src(%arg4 : memref<200x64xf32, #tpu.memory_space<hbm>>) dst(%dma_wait3A_181 : memref<200x64xf32, #tpu.memory_space<vmem>>)
        tpu.yield
      }) : () -> ()
      %run_scoped3A_165 = arith.constant 0 : i32
      "tpu.region"() ({
        %run_scoped3A_166 = tpu.sem_alloc : memref<!tpu.dma_semaphore, #tpu.memory_space<semaphore_mem>>
        %dma_start3A = arith.constant 0 : i32
        %dma_start3A_167 = arith.constant 0 : i32
        %dma_start3A_168 = tpu.memref_slice %arg7[%run_scoped3A_165, %dma_start3A, %dma_start3A_167] : memref<7x200x64xf32, #tpu.memory_space<vmem>> -> memref<1x200x64xf32, #tpu.memory_space<vmem>>
        %dma_start3A_169 = tpu.memref_squeeze %dma_start3A_168 : memref<1x200x64xf32, #tpu.memory_space<vmem>> -> memref<200x64xf32, #tpu.memory_space<vmem>>
        %dma_start3A_170 = arith.constant 0 : i32
        %dma_start3A_171 = arith.constant 0 : i32
        %dma_start3A_172 = tpu.memref_slice %arg7[%run_scoped3A_165, %dma_start3A_170, %dma_start3A_171] : memref<7x200x64xf32, #tpu.memory_space<vmem>> -> memref<1x200x64xf32, #tpu.memory_space<vmem>>
        %dma_start3A_173 = tpu.memref_squeeze %dma_start3A_172 : memref<1x200x64xf32, #tpu.memory_space<vmem>> -> memref<200x64xf32, #tpu.memory_space<vmem>>
        tpu.enqueue_dma source(%dma_start3A_173 : memref<200x64xf32, #tpu.memory_space<vmem>>) target(%arg6 : memref<200x64xf32, #tpu.memory_space<vmem_shared>>) target_semaphore(%run_scoped3A_166 : memref<!tpu.dma_semaphore, #tpu.memory_space<semaphore_mem>>)
        %dma_wait3A_174 = arith.constant 0 : i32
        %dma_wait3A_175 = arith.constant 0 : i32
        %dma_wait3A_176 = tpu.memref_slice %arg7[%run_scoped3A_165, %dma_wait3A_174, %dma_wait3A_175] : memref<7x200x64xf32, #tpu.memory_space<vmem>> -> memref<1x200x64xf32, #tpu.memory_space<vmem>>
        %dma_wait3A_177 = tpu.memref_squeeze %dma_wait3A_176 : memref<1x200x64xf32, #tpu.memory_space<vmem>> -> memref<200x64xf32, #tpu.memory_space<vmem>>
        %dma_wait3A_178 = arith.constant 0 : i32
        %dma_wait3A_179 = arith.constant 0 : i32
        %dma_wait3A_180 = tpu.memref_slice %arg7[%run_scoped3A_165, %dma_wait3A_178, %dma_wait3A_179] : memref<7x200x64xf32, #tpu.memory_space<vmem>> -> memref<1x200x64xf32, #tpu.memory_space<vmem>>
        %dma_wait3A_181 = tpu.memref_squeeze %dma_wait3A_180 : memref<1x200x64xf32, #tpu.memory_space<vmem>> -> memref<200x64xf32, #tpu.memory_space<vmem>>
        tpu.wait_dma2 semaphore(%run_scoped3A_166 : memref<!tpu.dma_semaphore, #tpu.memory_space<semaphore_mem>>) src(%dma_wait3A_181 : memref<200x64xf32, #tpu.memory_space<vmem>>) dst(%arg6 : memref<200x64xf32, #tpu.memory_space<vmem_shared>>)
        tpu.yield
      }) : () -> ()
    } else {
    }
    %barrier3A = arith.constant 0 : index
    tpu.barrier barrier_id(%barrier3A)
    %scan3A = arith.constant 0 : i32
    %scan3A_7 = arith.constant 0 : i32
    %scan3A_8 = arith.constant 19 : i32
    %scan3A_9 = arith.addi %scan3A_7, %scan3A_8 : i32
    %scan3A_10 = arith.constant 1 : i32
    scf.for %scan3A_165 = %scan3A_7 to %scan3A_9 step %scan3A_10  : i32 {
      %mul3A_166 = arith.constant 7 : i32
      %mul3A_167 = arith.muli %scan3A_165, %mul3A_166 : i32
      %add3A_168 = arith.constant 0 : i32
      %add3A_169 = arith.addi %mul3A_167, %add3A_168 : i32
      %lt3A = arith.constant 128 : i32
      %lt3A_170 = arith.cmpi slt, %add3A_169, %lt3A : i32
      %convert_element_type3A_171 = arith.extui %lt3A_170 : i1 to i32
      %cond3A_172 = arith.constant 0 : i32
      %cond3A_173 = arith.cmpi ne, %convert_element_type3A_171, %cond3A_172 : i32
      scf.if %cond3A_173 {
        %ge3A_379 = arith.constant 7 : i32
        %ge3A_380 = arith.cmpi sge, %add3A_169, %ge3A_379 : i32
        %convert_element_type3A_381 = arith.extui %ge3A_380 : i1 to i32
        %cond3A_382 = arith.constant 0 : i32
        %cond3A_383 = arith.cmpi ne, %convert_element_type3A_381, %cond3A_382 : i32
        scf.if %cond3A_383 {
          %sub3A_405 = arith.constant 7 : i32
          %sub3A_406 = arith.subi %add3A_169, %sub3A_405 : i32
          %add3A_407 = arith.addi %mul3A_4, %sub3A_406 : i32
          %dma_wait3A_408 = arith.constant 0 : i32
          %dma_wait3A_409 = arith.constant 0 : i32
          %dma_wait3A_410 = arith.constant 0 : i32
          %dma_wait3A_411 = arith.constant 0 : i32
          %dma_wait3A_412 = tpu.memref_slice %arg7[%dma_wait3A_408, %dma_wait3A_410, %dma_wait3A_411] : memref<7x200x64xf32, #tpu.memory_space<vmem>> -> memref<1x200x64xf32, #tpu.memory_space<vmem>>
          %dma_wait3A_413 = tpu.memref_squeeze %dma_wait3A_412 : memref<1x200x64xf32, #tpu.memory_space<vmem>> -> memref<200x64xf32, #tpu.memory_space<vmem>>
          %dma_wait3A_414 = arith.constant 0 : i32
          %dma_wait3A_415 = arith.constant 0 : i32
          %dma_wait3A_416 = tpu.memref_slice %arg5[%add3A_407, %dma_wait3A_414, %dma_wait3A_415] : memref<4096x200x128xf32, #tpu.memory_space<hbm>> -> memref<1x200x64xf32, #tpu.memory_space<hbm>>
          %dma_wait3A_417 = tpu.memref_squeeze %dma_wait3A_416 : memref<1x200x64xf32, #tpu.memory_space<hbm>> -> memref<200x64xf32, #tpu.memory_space<hbm>>
          %dma_wait3A_418 = tpu.memref_slice %arg18[%dma_wait3A_409] : memref<7x!tpu.dma_semaphore, #tpu.memory_space<semaphore_mem>> -> memref<1x!tpu.dma_semaphore, #tpu.memory_space<semaphore_mem>>
          %dma_wait3A_419 = tpu.memref_squeeze %dma_wait3A_418 : memref<1x!tpu.dma_semaphore, #tpu.memory_space<semaphore_mem>> -> memref<!tpu.dma_semaphore, #tpu.memory_space<semaphore_mem>>
          %dma_wait3A_420 = arith.constant 0 : i32
          %dma_wait3A_421 = arith.constant 0 : i32
          %dma_wait3A_422 = tpu.memref_slice %arg5[%add3A_407, %dma_wait3A_420, %dma_wait3A_421] : memref<4096x200x128xf32, #tpu.memory_space<hbm>> -> memref<1x200x64xf32, #tpu.memory_space<hbm>>
          %dma_wait3A_423 = tpu.memref_squeeze %dma_wait3A_422 : memref<1x200x64xf32, #tpu.memory_space<hbm>> -> memref<200x64xf32, #tpu.memory_space<hbm>>
          %dma_wait3A_424 = arith.constant 0 : i32
          %dma_wait3A_425 = arith.constant 0 : i32
          %dma_wait3A_426 = tpu.memref_slice %arg7[%dma_wait3A_408, %dma_wait3A_424, %dma_wait3A_425] : memref<7x200x64xf32, #tpu.memory_space<vmem>> -> memref<1x200x64xf32, #tpu.memory_space<vmem>>
          %dma_wait3A_427 = tpu.memref_squeeze %dma_wait3A_426 : memref<1x200x64xf32, #tpu.memory_space<vmem>> -> memref<200x64xf32, #tpu.memory_space<vmem>>
          tpu.wait_dma2 semaphore(%dma_wait3A_419 : memref<!tpu.dma_semaphore, #tpu.memory_space<semaphore_mem>>) src(%dma_wait3A_427 : memref<200x64xf32, #tpu.memory_space<vmem>>) dst(%dma_wait3A_423 : memref<200x64xf32, #tpu.memory_space<hbm>>)
        } else {
        }
        %add3A_384 = arith.addi %mul3A_4, %add3A_169 : i32
        %dma_start3A = arith.constant 0 : i32
        %dma_start3A_385 = arith.constant 0 : i32
        %dma_start3A_386 = tpu.memref_slice %arg2[%add3A_384, %dma_start3A_385] : memref<4096x200xi32, #tpu.memory_space<hbm>> -> memref<1x200xi32, #tpu.memory_space<hbm>>
        %dma_start3A_387 = tpu.memref_squeeze %dma_start3A_386 : memref<1x200xi32, #tpu.memory_space<hbm>> -> memref<200xi32, #tpu.memory_space<hbm>>
        %dma_start3A_388 = tpu.memref_slice %arg15[%dma_start3A] : memref<7x!tpu.dma_semaphore, #tpu.memory_space<semaphore_mem>> -> memref<1x!tpu.dma_semaphore, #tpu.memory_space<semaphore_mem>>
        %dma_start3A_389 = tpu.memref_squeeze %dma_start3A_388 : memref<1x!tpu.dma_semaphore, #tpu.memory_space<semaphore_mem>> -> memref<!tpu.dma_semaphore, #tpu.memory_space<semaphore_mem>>
        %dma_start3A_390 = arith.constant 0 : i32
        %dma_start3A_391 = tpu.memref_slice %arg2[%add3A_384, %dma_start3A_390] : memref<4096x200xi32, #tpu.memory_space<hbm>> -> memref<1x200xi32, #tpu.memory_space<hbm>>
        %dma_start3A_392 = tpu.memref_squeeze %dma_start3A_391 : memref<1x200xi32, #tpu.memory_space<hbm>> -> memref<200xi32, #tpu.memory_space<hbm>>
        tpu.enqueue_dma source(%dma_start3A_392 : memref<200xi32, #tpu.memory_space<hbm>>) target(%arg8 : memref<200xi32, #tpu.memory_space<vmem>>) target_semaphore(%dma_start3A_389 : memref<!tpu.dma_semaphore, #tpu.memory_space<semaphore_mem>>)
        %dma_start3A_393 = arith.constant 0 : i32
        %dma_start3A_394 = arith.constant 0 : i32
        %dma_start3A_395 = arith.constant 0 : i32
        %dma_start3A_396 = arith.constant 0 : i32
        %dma_start3A_397 = tpu.memref_slice %arg7[%dma_start3A_393, %dma_start3A_395, %dma_start3A_396] : memref<7x200x64xf32, #tpu.memory_space<vmem>> -> memref<1x200x64xf32, #tpu.memory_space<vmem>>
        %dma_start3A_398 = tpu.memref_squeeze %dma_start3A_397 : memref<1x200x64xf32, #tpu.memory_space<vmem>> -> memref<200x64xf32, #tpu.memory_space<vmem>>
        %dma_start3A_399 = tpu.memref_slice %arg16[%dma_start3A_394] : memref<7x!tpu.dma_semaphore, #tpu.memory_space<semaphore_mem>> -> memref<1x!tpu.dma_semaphore, #tpu.memory_space<semaphore_mem>>
        %dma_start3A_400 = tpu.memref_squeeze %dma_start3A_399 : memref<1x!tpu.dma_semaphore, #tpu.memory_space<semaphore_mem>> -> memref<!tpu.dma_semaphore, #tpu.memory_space<semaphore_mem>>
        %dma_start3A_401 = arith.constant 0 : i32
        %dma_start3A_402 = arith.constant 0 : i32
        %dma_start3A_403 = tpu.memref_slice %arg7[%dma_start3A_393, %dma_start3A_401, %dma_start3A_402] : memref<7x200x64xf32, #tpu.memory_space<vmem>> -> memref<1x200x64xf32, #tpu.memory_space<vmem>>
        %dma_start3A_404 = tpu.memref_squeeze %dma_start3A_403 : memref<1x200x64xf32, #tpu.memory_space<vmem>> -> memref<200x64xf32, #tpu.memory_space<vmem>>
        tpu.enqueue_dma source(%arg6 : memref<200x64xf32, #tpu.memory_space<vmem_shared>>) target(%dma_start3A_404 : memref<200x64xf32, #tpu.memory_space<vmem>>) target_semaphore(%dma_start3A_400 : memref<!tpu.dma_semaphore, #tpu.memory_space<semaphore_mem>>)
      } else {
      }
      %sub3A = arith.constant 1 : i32
      %sub3A_174 = arith.subi %add3A_169, %sub3A : i32
      %ge3A = arith.constant 0 : i32
      %ge3A_175 = arith.cmpi sge, %sub3A_174, %ge3A : i32
      %lt3A_176 = arith.constant 128 : i32
      %lt3A_177 = arith.cmpi slt, %sub3A_174, %lt3A_176 : i32
      %and3A = arith.andi %ge3A_175, %lt3A_177 : i1
      %convert_element_type3A_178 = arith.extui %and3A : i1 to i32
      %cond3A_179 = arith.constant 0 : i32
      %cond3A_180 = arith.cmpi ne, %convert_element_type3A_178, %cond3A_179 : i32
      scf.if %cond3A_180 {
        %add3A_379 = arith.addi %mul3A_4, %sub3A_174 : i32
        %dma_wait3A_380 = arith.constant 6 : i32
        %dma_wait3A_381 = arith.constant 0 : i32
        %dma_wait3A_382 = tpu.memref_slice %arg2[%add3A_379, %dma_wait3A_381] : memref<4096x200xi32, #tpu.memory_space<hbm>> -> memref<1x200xi32, #tpu.memory_space<hbm>>
        %dma_wait3A_383 = tpu.memref_squeeze %dma_wait3A_382 : memref<1x200xi32, #tpu.memory_space<hbm>> -> memref<200xi32, #tpu.memory_space<hbm>>
        %dma_wait3A_384 = tpu.memref_slice %arg15[%dma_wait3A_380] : memref<7x!tpu.dma_semaphore, #tpu.memory_space<semaphore_mem>> -> memref<1x!tpu.dma_semaphore, #tpu.memory_space<semaphore_mem>>
        %dma_wait3A_385 = tpu.memref_squeeze %dma_wait3A_384 : memref<1x!tpu.dma_semaphore, #tpu.memory_space<semaphore_mem>> -> memref<!tpu.dma_semaphore, #tpu.memory_space<semaphore_mem>>
        %dma_wait3A_386 = arith.constant 0 : i32
        %dma_wait3A_387 = tpu.memref_slice %arg2[%add3A_379, %dma_wait3A_386] : memref<4096x200xi32, #tpu.memory_space<hbm>> -> memref<1x200xi32, #tpu.memory_space<hbm>>
        %dma_wait3A_388 = tpu.memref_squeeze %dma_wait3A_387 : memref<1x200xi32, #tpu.memory_space<hbm>> -> memref<200xi32, #tpu.memory_space<hbm>>
        tpu.wait_dma2 semaphore(%dma_wait3A_385 : memref<!tpu.dma_semaphore, #tpu.memory_space<semaphore_mem>>) src(%dma_wait3A_388 : memref<200xi32, #tpu.memory_space<hbm>>) dst(%arg14 : memref<200xi32, #tpu.memory_space<vmem>>)
        %dma_wait3A_389 = arith.constant 6 : i32
        %dma_wait3A_390 = arith.constant 6 : i32
        %dma_wait3A_391 = arith.constant 0 : i32
        %dma_wait3A_392 = arith.constant 0 : i32
        %dma_wait3A_393 = tpu.memref_slice %arg7[%dma_wait3A_389, %dma_wait3A_391, %dma_wait3A_392] : memref<7x200x64xf32, #tpu.memory_space<vmem>> -> memref<1x200x64xf32, #tpu.memory_space<vmem>>
        %dma_wait3A_394 = tpu.memref_squeeze %dma_wait3A_393 : memref<1x200x64xf32, #tpu.memory_space<vmem>> -> memref<200x64xf32, #tpu.memory_space<vmem>>
        %dma_wait3A_395 = tpu.memref_slice %arg16[%dma_wait3A_390] : memref<7x!tpu.dma_semaphore, #tpu.memory_space<semaphore_mem>> -> memref<1x!tpu.dma_semaphore, #tpu.memory_space<semaphore_mem>>
        %dma_wait3A_396 = tpu.memref_squeeze %dma_wait3A_395 : memref<1x!tpu.dma_semaphore, #tpu.memory_space<semaphore_mem>> -> memref<!tpu.dma_semaphore, #tpu.memory_space<semaphore_mem>>
        %dma_wait3A_397 = arith.constant 0 : i32
        %dma_wait3A_398 = arith.constant 0 : i32
        %dma_wait3A_399 = tpu.memref_slice %arg7[%dma_wait3A_389, %dma_wait3A_397, %dma_wait3A_398] : memref<7x200x64xf32, #tpu.memory_space<vmem>> -> memref<1x200x64xf32, #tpu.memory_space<vmem>>
        %dma_wait3A_400 = tpu.memref_squeeze %dma_wait3A_399 : memref<1x200x64xf32, #tpu.memory_space<vmem>> -> memref<200x64xf32, #tpu.memory_space<vmem>>
        tpu.wait_dma2 semaphore(%dma_wait3A_396 : memref<!tpu.dma_semaphore, #tpu.memory_space<semaphore_mem>>) src(%arg6 : memref<200x64xf32, #tpu.memory_space<vmem_shared>>) dst(%dma_wait3A_400 : memref<200x64xf32, #tpu.memory_space<vmem>>)
        %dma_start3A = arith.constant 6 : i32
        %dma_start3A_401 = arith.constant 6 : i32
        %dma_start3A_402 = arith.constant 0 : i32
        %dma_start3A_403 = arith.constant 0 : i32
        %dma_start3A_404 = tpu.memref_slice %arg7[%dma_start3A, %dma_start3A_402, %dma_start3A_403] : memref<7x200x64xf32, #tpu.memory_space<vmem>> -> memref<1x200x64xf32, #tpu.memory_space<vmem>>
        %dma_start3A_405 = tpu.memref_squeeze %dma_start3A_404 : memref<1x200x64xf32, #tpu.memory_space<vmem>> -> memref<200x64xf32, #tpu.memory_space<vmem>>
        %dma_start3A_406 = arith.constant 0 : i32
        %dma_start3A_407 = arith.constant 0 : i32
        %dma_start3A_408 = tpu.memref_slice %arg3[%dma_start3A_406, %dma_start3A_407] : memref<1000000x64xf32, #tpu.memory_space<hbm>> -> memref<1000000x64xf32, #tpu.memory_space<hbm>>
        %dma_start3A_409 = tpu.memref_slice %arg17[%dma_start3A_401] : memref<7x!tpu.dma_semaphore, #tpu.memory_space<semaphore_mem>> -> memref<1x!tpu.dma_semaphore, #tpu.memory_space<semaphore_mem>>
        %dma_start3A_410 = tpu.memref_squeeze %dma_start3A_409 : memref<1x!tpu.dma_semaphore, #tpu.memory_space<semaphore_mem>> -> memref<!tpu.dma_semaphore, #tpu.memory_space<semaphore_mem>>
        tpu.enqueue_indirect_dma source(%dma_start3A_408 : memref<1000000x64xf32, #tpu.memory_space<hbm>>) target(%dma_start3A_405 : memref<200x64xf32, #tpu.memory_space<vmem>>) offsets(%arg14 : memref<200xi32, #tpu.memory_space<vmem>>) semaphore(%dma_start3A_410 : memref<!tpu.dma_semaphore, #tpu.memory_space<semaphore_mem>>) {add = true}
      } else {
      }
      %sub3A_181 = arith.constant 1 : i32
      %sub3A_182 = arith.subi %add3A_169, %sub3A_181 : i32
      %sub3A_183 = arith.constant 4 : i32
      %sub3A_184 = arith.subi %sub3A_182, %sub3A_183 : i32
      %ge3A_185 = arith.constant 0 : i32
      %ge3A_186 = arith.cmpi sge, %sub3A_184, %ge3A_185 : i32
      %lt3A_187 = arith.constant 128 : i32
      %lt3A_188 = arith.cmpi slt, %sub3A_184, %lt3A_187 : i32
      %and3A_189 = arith.andi %ge3A_186, %lt3A_188 : i1
      %convert_element_type3A_190 = arith.extui %and3A_189 : i1 to i32
      %cond3A_191 = arith.constant 0 : i32
      %cond3A_192 = arith.cmpi ne, %convert_element_type3A_190, %cond3A_191 : i32
      scf.if %cond3A_192 {
        %dma_wait3A_379 = arith.constant 2 : i32
        %dma_wait3A_380 = arith.constant 2 : i32
        %dma_wait3A_381 = arith.constant 0 : i32
        %dma_wait3A_382 = arith.constant 0 : i32
        %dma_wait3A_383 = tpu.memref_slice %arg7[%dma_wait3A_379, %dma_wait3A_381, %dma_wait3A_382] : memref<7x200x64xf32, #tpu.memory_space<vmem>> -> memref<1x200x64xf32, #tpu.memory_space<vmem>>
        %dma_wait3A_384 = tpu.memref_squeeze %dma_wait3A_383 : memref<1x200x64xf32, #tpu.memory_space<vmem>> -> memref<200x64xf32, #tpu.memory_space<vmem>>
        %dma_wait3A_385 = arith.constant 0 : i32
        %dma_wait3A_386 = arith.constant 0 : i32
        %dma_wait3A_387 = tpu.memref_slice %arg3[%dma_wait3A_385, %dma_wait3A_386] : memref<1000000x64xf32, #tpu.memory_space<hbm>> -> memref<1000000x64xf32, #tpu.memory_space<hbm>>
        %dma_wait3A_388 = tpu.memref_slice %arg17[%dma_wait3A_380] : memref<7x!tpu.dma_semaphore, #tpu.memory_space<semaphore_mem>> -> memref<1x!tpu.dma_semaphore, #tpu.memory_space<semaphore_mem>>
        %dma_wait3A_389 = tpu.memref_squeeze %dma_wait3A_388 : memref<1x!tpu.dma_semaphore, #tpu.memory_space<semaphore_mem>> -> memref<!tpu.dma_semaphore, #tpu.memory_space<semaphore_mem>>
        tpu.wait_indirect_dma semaphore(%dma_wait3A_389 : memref<!tpu.dma_semaphore, #tpu.memory_space<semaphore_mem>>) src(%dma_wait3A_387 : memref<1000000x64xf32, #tpu.memory_space<hbm>>) dst(%dma_wait3A_384 : memref<200x64xf32, #tpu.memory_space<vmem>>)
        %add3A_390 = arith.addi %mul3A_4, %sub3A_184 : i32
        %dma_start3A = arith.constant 2 : i32
        %dma_start3A_391 = arith.constant 2 : i32
        %dma_start3A_392 = arith.constant 0 : i32
        %dma_start3A_393 = arith.constant 0 : i32
        %dma_start3A_394 = tpu.memref_slice %arg7[%dma_start3A, %dma_start3A_392, %dma_start3A_393] : memref<7x200x64xf32, #tpu.memory_space<vmem>> -> memref<1x200x64xf32, #tpu.memory_space<vmem>>
        %dma_start3A_395 = tpu.memref_squeeze %dma_start3A_394 : memref<1x200x64xf32, #tpu.memory_space<vmem>> -> memref<200x64xf32, #tpu.memory_space<vmem>>
        %dma_start3A_396 = arith.constant 0 : i32
        %dma_start3A_397 = arith.constant 0 : i32
        %dma_start3A_398 = tpu.memref_slice %arg5[%add3A_390, %dma_start3A_396, %dma_start3A_397] : memref<4096x200x128xf32, #tpu.memory_space<hbm>> -> memref<1x200x64xf32, #tpu.memory_space<hbm>>
        %dma_start3A_399 = tpu.memref_squeeze %dma_start3A_398 : memref<1x200x64xf32, #tpu.memory_space<hbm>> -> memref<200x64xf32, #tpu.memory_space<hbm>>
        %dma_start3A_400 = tpu.memref_slice %arg18[%dma_start3A_391] : memref<7x!tpu.dma_semaphore, #tpu.memory_space<semaphore_mem>> -> memref<1x!tpu.dma_semaphore, #tpu.memory_space<semaphore_mem>>
        %dma_start3A_401 = tpu.memref_squeeze %dma_start3A_400 : memref<1x!tpu.dma_semaphore, #tpu.memory_space<semaphore_mem>> -> memref<!tpu.dma_semaphore, #tpu.memory_space<semaphore_mem>>
        %dma_start3A_402 = arith.constant 0 : i32
        %dma_start3A_403 = arith.constant 0 : i32
        %dma_start3A_404 = tpu.memref_slice %arg5[%add3A_390, %dma_start3A_402, %dma_start3A_403] : memref<4096x200x128xf32, #tpu.memory_space<hbm>> -> memref<1x200x64xf32, #tpu.memory_space<hbm>>
        %dma_start3A_405 = tpu.memref_squeeze %dma_start3A_404 : memref<1x200x64xf32, #tpu.memory_space<hbm>> -> memref<200x64xf32, #tpu.memory_space<hbm>>
        %dma_start3A_406 = arith.constant 0 : i32
        %dma_start3A_407 = arith.constant 0 : i32
        %dma_start3A_408 = tpu.memref_slice %arg7[%dma_start3A, %dma_start3A_406, %dma_start3A_407] : memref<7x200x64xf32, #tpu.memory_space<vmem>> -> memref<1x200x64xf32, #tpu.memory_space<vmem>>
        %dma_start3A_409 = tpu.memref_squeeze %dma_start3A_408 : memref<1x200x64xf32, #tpu.memory_space<vmem>> -> memref<200x64xf32, #tpu.memory_space<vmem>>
        tpu.enqueue_dma source(%dma_start3A_409 : memref<200x64xf32, #tpu.memory_space<vmem>>) target(%dma_start3A_405 : memref<200x64xf32, #tpu.memory_space<hbm>>) target_semaphore(%dma_start3A_401 : memref<!tpu.dma_semaphore, #tpu.memory_space<semaphore_mem>>)
      } else {
      }
      %mul3A_193 = arith.constant 7 : i32
      %mul3A_194 = arith.muli %scan3A_165, %mul3A_193 : i32
      %add3A_195 = arith.constant 1 : i32
      %add3A_196 = arith.addi %mul3A_194, %add3A_195 : i32
      %lt3A_197 = arith.constant 128 : i32
      %lt3A_198 = arith.cmpi slt, %add3A_196, %lt3A_197 : i32
      %convert_element_type3A_199 = arith.extui %lt3A_198 : i1 to i32
      %cond3A_200 = arith.constant 0 : i32
      %cond3A_201 = arith.cmpi ne, %convert_element_type3A_199, %cond3A_200 : i32
      scf.if %cond3A_201 {
        %ge3A_379 = arith.constant 7 : i32
        %ge3A_380 = arith.cmpi sge, %add3A_196, %ge3A_379 : i32
        %convert_element_type3A_381 = arith.extui %ge3A_380 : i1 to i32
        %cond3A_382 = arith.constant 0 : i32
        %cond3A_383 = arith.cmpi ne, %convert_element_type3A_381, %cond3A_382 : i32
        scf.if %cond3A_383 {
          %sub3A_405 = arith.constant 7 : i32
          %sub3A_406 = arith.subi %add3A_196, %sub3A_405 : i32
          %add3A_407 = arith.addi %mul3A_4, %sub3A_406 : i32
          %dma_wait3A_408 = arith.constant 1 : i32
          %dma_wait3A_409 = arith.constant 1 : i32
          %dma_wait3A_410 = arith.constant 0 : i32
          %dma_wait3A_411 = arith.constant 0 : i32
          %dma_wait3A_412 = tpu.memref_slice %arg7[%dma_wait3A_408, %dma_wait3A_410, %dma_wait3A_411] : memref<7x200x64xf32, #tpu.memory_space<vmem>> -> memref<1x200x64xf32, #tpu.memory_space<vmem>>
          %dma_wait3A_413 = tpu.memref_squeeze %dma_wait3A_412 : memref<1x200x64xf32, #tpu.memory_space<vmem>> -> memref<200x64xf32, #tpu.memory_space<vmem>>
          %dma_wait3A_414 = arith.constant 0 : i32
          %dma_wait3A_415 = arith.constant 0 : i32
          %dma_wait3A_416 = tpu.memref_slice %arg5[%add3A_407, %dma_wait3A_414, %dma_wait3A_415] : memref<4096x200x128xf32, #tpu.memory_space<hbm>> -> memref<1x200x64xf32, #tpu.memory_space<hbm>>
          %dma_wait3A_417 = tpu.memref_squeeze %dma_wait3A_416 : memref<1x200x64xf32, #tpu.memory_space<hbm>> -> memref<200x64xf32, #tpu.memory_space<hbm>>
          %dma_wait3A_418 = tpu.memref_slice %arg18[%dma_wait3A_409] : memref<7x!tpu.dma_semaphore, #tpu.memory_space<semaphore_mem>> -> memref<1x!tpu.dma_semaphore, #tpu.memory_space<semaphore_mem>>
          %dma_wait3A_419 = tpu.memref_squeeze %dma_wait3A_418 : memref<1x!tpu.dma_semaphore, #tpu.memory_space<semaphore_mem>> -> memref<!tpu.dma_semaphore, #tpu.memory_space<semaphore_mem>>
          %dma_wait3A_420 = arith.constant 0 : i32
          %dma_wait3A_421 = arith.constant 0 : i32
          %dma_wait3A_422 = tpu.memref_slice %arg5[%add3A_407, %dma_wait3A_420, %dma_wait3A_421] : memref<4096x200x128xf32, #tpu.memory_space<hbm>> -> memref<1x200x64xf32, #tpu.memory_space<hbm>>
          %dma_wait3A_423 = tpu.memref_squeeze %dma_wait3A_422 : memref<1x200x64xf32, #tpu.memory_space<hbm>> -> memref<200x64xf32, #tpu.memory_space<hbm>>
          %dma_wait3A_424 = arith.constant 0 : i32
          %dma_wait3A_425 = arith.constant 0 : i32
          %dma_wait3A_426 = tpu.memref_slice %arg7[%dma_wait3A_408, %dma_wait3A_424, %dma_wait3A_425] : memref<7x200x64xf32, #tpu.memory_space<vmem>> -> memref<1x200x64xf32, #tpu.memory_space<vmem>>
          %dma_wait3A_427 = tpu.memref_squeeze %dma_wait3A_426 : memref<1x200x64xf32, #tpu.memory_space<vmem>> -> memref<200x64xf32, #tpu.memory_space<vmem>>
          tpu.wait_dma2 semaphore(%dma_wait3A_419 : memref<!tpu.dma_semaphore, #tpu.memory_space<semaphore_mem>>) src(%dma_wait3A_427 : memref<200x64xf32, #tpu.memory_space<vmem>>) dst(%dma_wait3A_423 : memref<200x64xf32, #tpu.memory_space<hbm>>)
        } else {
        }
        %add3A_384 = arith.addi %mul3A_4, %add3A_196 : i32
        %dma_start3A = arith.constant 1 : i32
        %dma_start3A_385 = arith.constant 0 : i32
        %dma_start3A_386 = tpu.memref_slice %arg2[%add3A_384, %dma_start3A_385] : memref<4096x200xi32, #tpu.memory_space<hbm>> -> memref<1x200xi32, #tpu.memory_space<hbm>>
        %dma_start3A_387 = tpu.memref_squeeze %dma_start3A_386 : memref<1x200xi32, #tpu.memory_space<hbm>> -> memref<200xi32, #tpu.memory_space<hbm>>
        %dma_start3A_388 = tpu.memref_slice %arg15[%dma_start3A] : memref<7x!tpu.dma_semaphore, #tpu.memory_space<semaphore_mem>> -> memref<1x!tpu.dma_semaphore, #tpu.memory_space<semaphore_mem>>
        %dma_start3A_389 = tpu.memref_squeeze %dma_start3A_388 : memref<1x!tpu.dma_semaphore, #tpu.memory_space<semaphore_mem>> -> memref<!tpu.dma_semaphore, #tpu.memory_space<semaphore_mem>>
        %dma_start3A_390 = arith.constant 0 : i32
        %dma_start3A_391 = tpu.memref_slice %arg2[%add3A_384, %dma_start3A_390] : memref<4096x200xi32, #tpu.memory_space<hbm>> -> memref<1x200xi32, #tpu.memory_space<hbm>>
        %dma_start3A_392 = tpu.memref_squeeze %dma_start3A_391 : memref<1x200xi32, #tpu.memory_space<hbm>> -> memref<200xi32, #tpu.memory_space<hbm>>
        tpu.enqueue_dma source(%dma_start3A_392 : memref<200xi32, #tpu.memory_space<hbm>>) target(%arg9 : memref<200xi32, #tpu.memory_space<vmem>>) target_semaphore(%dma_start3A_389 : memref<!tpu.dma_semaphore, #tpu.memory_space<semaphore_mem>>)
        %dma_start3A_393 = arith.constant 1 : i32
        %dma_start3A_394 = arith.constant 1 : i32
        %dma_start3A_395 = arith.constant 0 : i32
        %dma_start3A_396 = arith.constant 0 : i32
        %dma_start3A_397 = tpu.memref_slice %arg7[%dma_start3A_393, %dma_start3A_395, %dma_start3A_396] : memref<7x200x64xf32, #tpu.memory_space<vmem>> -> memref<1x200x64xf32, #tpu.memory_space<vmem>>
        %dma_start3A_398 = tpu.memref_squeeze %dma_start3A_397 : memref<1x200x64xf32, #tpu.memory_space<vmem>> -> memref<200x64xf32, #tpu.memory_space<vmem>>
        %dma_start3A_399 = tpu.memref_slice %arg16[%dma_start3A_394] : memref<7x!tpu.dma_semaphore, #tpu.memory_space<semaphore_mem>> -> memref<1x!tpu.dma_semaphore, #tpu.memory_space<semaphore_mem>>
        %dma_start3A_400 = tpu.memref_squeeze %dma_start3A_399 : memref<1x!tpu.dma_semaphore, #tpu.memory_space<semaphore_mem>> -> memref<!tpu.dma_semaphore, #tpu.memory_space<semaphore_mem>>
        %dma_start3A_401 = arith.constant 0 : i32
        %dma_start3A_402 = arith.constant 0 : i32
        %dma_start3A_403 = tpu.memref_slice %arg7[%dma_start3A_393, %dma_start3A_401, %dma_start3A_402] : memref<7x200x64xf32, #tpu.memory_space<vmem>> -> memref<1x200x64xf32, #tpu.memory_space<vmem>>
        %dma_start3A_404 = tpu.memref_squeeze %dma_start3A_403 : memref<1x200x64xf32, #tpu.memory_space<vmem>> -> memref<200x64xf32, #tpu.memory_space<vmem>>
        tpu.enqueue_dma source(%arg6 : memref<200x64xf32, #tpu.memory_space<vmem_shared>>) target(%dma_start3A_404 : memref<200x64xf32, #tpu.memory_space<vmem>>) target_semaphore(%dma_start3A_400 : memref<!tpu.dma_semaphore, #tpu.memory_space<semaphore_mem>>)
      } else {
      }
      %sub3A_202 = arith.constant 1 : i32
      %sub3A_203 = arith.subi %add3A_196, %sub3A_202 : i32
      %ge3A_204 = arith.constant 0 : i32
      %ge3A_205 = arith.cmpi sge, %sub3A_203, %ge3A_204 : i32
      %lt3A_206 = arith.constant 128 : i32
      %lt3A_207 = arith.cmpi slt, %sub3A_203, %lt3A_206 : i32
      %and3A_208 = arith.andi %ge3A_205, %lt3A_207 : i1
      %convert_element_type3A_209 = arith.extui %and3A_208 : i1 to i32
      %cond3A_210 = arith.constant 0 : i32
      %cond3A_211 = arith.cmpi ne, %convert_element_type3A_209, %cond3A_210 : i32
      scf.if %cond3A_211 {
        %add3A_379 = arith.addi %mul3A_4, %sub3A_203 : i32
        %dma_wait3A_380 = arith.constant 0 : i32
        %dma_wait3A_381 = arith.constant 0 : i32
        %dma_wait3A_382 = tpu.memref_slice %arg2[%add3A_379, %dma_wait3A_381] : memref<4096x200xi32, #tpu.memory_space<hbm>> -> memref<1x200xi32, #tpu.memory_space<hbm>>
        %dma_wait3A_383 = tpu.memref_squeeze %dma_wait3A_382 : memref<1x200xi32, #tpu.memory_space<hbm>> -> memref<200xi32, #tpu.memory_space<hbm>>
        %dma_wait3A_384 = tpu.memref_slice %arg15[%dma_wait3A_380] : memref<7x!tpu.dma_semaphore, #tpu.memory_space<semaphore_mem>> -> memref<1x!tpu.dma_semaphore, #tpu.memory_space<semaphore_mem>>
        %dma_wait3A_385 = tpu.memref_squeeze %dma_wait3A_384 : memref<1x!tpu.dma_semaphore, #tpu.memory_space<semaphore_mem>> -> memref<!tpu.dma_semaphore, #tpu.memory_space<semaphore_mem>>
        %dma_wait3A_386 = arith.constant 0 : i32
        %dma_wait3A_387 = tpu.memref_slice %arg2[%add3A_379, %dma_wait3A_386] : memref<4096x200xi32, #tpu.memory_space<hbm>> -> memref<1x200xi32, #tpu.memory_space<hbm>>
        %dma_wait3A_388 = tpu.memref_squeeze %dma_wait3A_387 : memref<1x200xi32, #tpu.memory_space<hbm>> -> memref<200xi32, #tpu.memory_space<hbm>>
        tpu.wait_dma2 semaphore(%dma_wait3A_385 : memref<!tpu.dma_semaphore, #tpu.memory_space<semaphore_mem>>) src(%dma_wait3A_388 : memref<200xi32, #tpu.memory_space<hbm>>) dst(%arg8 : memref<200xi32, #tpu.memory_space<vmem>>)
        %dma_wait3A_389 = arith.constant 0 : i32
        %dma_wait3A_390 = arith.constant 0 : i32
        %dma_wait3A_391 = arith.constant 0 : i32
        %dma_wait3A_392 = arith.constant 0 : i32
        %dma_wait3A_393 = tpu.memref_slice %arg7[%dma_wait3A_389, %dma_wait3A_391, %dma_wait3A_392] : memref<7x200x64xf32, #tpu.memory_space<vmem>> -> memref<1x200x64xf32, #tpu.memory_space<vmem>>
        %dma_wait3A_394 = tpu.memref_squeeze %dma_wait3A_393 : memref<1x200x64xf32, #tpu.memory_space<vmem>> -> memref<200x64xf32, #tpu.memory_space<vmem>>
        %dma_wait3A_395 = tpu.memref_slice %arg16[%dma_wait3A_390] : memref<7x!tpu.dma_semaphore, #tpu.memory_space<semaphore_mem>> -> memref<1x!tpu.dma_semaphore, #tpu.memory_space<semaphore_mem>>
        %dma_wait3A_396 = tpu.memref_squeeze %dma_wait3A_395 : memref<1x!tpu.dma_semaphore, #tpu.memory_space<semaphore_mem>> -> memref<!tpu.dma_semaphore, #tpu.memory_space<semaphore_mem>>
        %dma_wait3A_397 = arith.constant 0 : i32
        %dma_wait3A_398 = arith.constant 0 : i32
        %dma_wait3A_399 = tpu.memref_slice %arg7[%dma_wait3A_389, %dma_wait3A_397, %dma_wait3A_398] : memref<7x200x64xf32, #tpu.memory_space<vmem>> -> memref<1x200x64xf32, #tpu.memory_space<vmem>>
        %dma_wait3A_400 = tpu.memref_squeeze %dma_wait3A_399 : memref<1x200x64xf32, #tpu.memory_space<vmem>> -> memref<200x64xf32, #tpu.memory_space<vmem>>
        tpu.wait_dma2 semaphore(%dma_wait3A_396 : memref<!tpu.dma_semaphore, #tpu.memory_space<semaphore_mem>>) src(%arg6 : memref<200x64xf32, #tpu.memory_space<vmem_shared>>) dst(%dma_wait3A_400 : memref<200x64xf32, #tpu.memory_space<vmem>>)
        %dma_start3A = arith.constant 0 : i32
        %dma_start3A_401 = arith.constant 0 : i32
        %dma_start3A_402 = arith.constant 0 : i32
        %dma_start3A_403 = arith.constant 0 : i32
        %dma_start3A_404 = tpu.memref_slice %arg7[%dma_start3A, %dma_start3A_402, %dma_start3A_403] : memref<7x200x64xf32, #tpu.memory_space<vmem>> -> memref<1x200x64xf32, #tpu.memory_space<vmem>>
        %dma_start3A_405 = tpu.memref_squeeze %dma_start3A_404 : memref<1x200x64xf32, #tpu.memory_space<vmem>> -> memref<200x64xf32, #tpu.memory_space<vmem>>
        %dma_start3A_406 = arith.constant 0 : i32
        %dma_start3A_407 = arith.constant 0 : i32
        %dma_start3A_408 = tpu.memref_slice %arg3[%dma_start3A_406, %dma_start3A_407] : memref<1000000x64xf32, #tpu.memory_space<hbm>> -> memref<1000000x64xf32, #tpu.memory_space<hbm>>
        %dma_start3A_409 = tpu.memref_slice %arg17[%dma_start3A_401] : memref<7x!tpu.dma_semaphore, #tpu.memory_space<semaphore_mem>> -> memref<1x!tpu.dma_semaphore, #tpu.memory_space<semaphore_mem>>
        %dma_start3A_410 = tpu.memref_squeeze %dma_start3A_409 : memref<1x!tpu.dma_semaphore, #tpu.memory_space<semaphore_mem>> -> memref<!tpu.dma_semaphore, #tpu.memory_space<semaphore_mem>>
        tpu.enqueue_indirect_dma source(%dma_start3A_408 : memref<1000000x64xf32, #tpu.memory_space<hbm>>) target(%dma_start3A_405 : memref<200x64xf32, #tpu.memory_space<vmem>>) offsets(%arg8 : memref<200xi32, #tpu.memory_space<vmem>>) semaphore(%dma_start3A_410 : memref<!tpu.dma_semaphore, #tpu.memory_space<semaphore_mem>>) {add = true}
      } else {
      }
      %sub3A_212 = arith.constant 1 : i32
      %sub3A_213 = arith.subi %add3A_196, %sub3A_212 : i32
      %sub3A_214 = arith.constant 4 : i32
      %sub3A_215 = arith.subi %sub3A_213, %sub3A_214 : i32
      %ge3A_216 = arith.constant 0 : i32
      %ge3A_217 = arith.cmpi sge, %sub3A_215, %ge3A_216 : i32
      %lt3A_218 = arith.constant 128 : i32
      %lt3A_219 = arith.cmpi slt, %sub3A_215, %lt3A_218 : i32
      %and3A_220 = arith.andi %ge3A_217, %lt3A_219 : i1
      %convert_element_type3A_221 = arith.extui %and3A_220 : i1 to i32
      %cond3A_222 = arith.constant 0 : i32
      %cond3A_223 = arith.cmpi ne, %convert_element_type3A_221, %cond3A_222 : i32
      scf.if %cond3A_223 {
        %dma_wait3A_379 = arith.constant 3 : i32
        %dma_wait3A_380 = arith.constant 3 : i32
        %dma_wait3A_381 = arith.constant 0 : i32
        %dma_wait3A_382 = arith.constant 0 : i32
        %dma_wait3A_383 = tpu.memref_slice %arg7[%dma_wait3A_379, %dma_wait3A_381, %dma_wait3A_382] : memref<7x200x64xf32, #tpu.memory_space<vmem>> -> memref<1x200x64xf32, #tpu.memory_space<vmem>>
        %dma_wait3A_384 = tpu.memref_squeeze %dma_wait3A_383 : memref<1x200x64xf32, #tpu.memory_space<vmem>> -> memref<200x64xf32, #tpu.memory_space<vmem>>
        %dma_wait3A_385 = arith.constant 0 : i32
        %dma_wait3A_386 = arith.constant 0 : i32
        %dma_wait3A_387 = tpu.memref_slice %arg3[%dma_wait3A_385, %dma_wait3A_386] : memref<1000000x64xf32, #tpu.memory_space<hbm>> -> memref<1000000x64xf32, #tpu.memory_space<hbm>>
        %dma_wait3A_388 = tpu.memref_slice %arg17[%dma_wait3A_380] : memref<7x!tpu.dma_semaphore, #tpu.memory_space<semaphore_mem>> -> memref<1x!tpu.dma_semaphore, #tpu.memory_space<semaphore_mem>>
        %dma_wait3A_389 = tpu.memref_squeeze %dma_wait3A_388 : memref<1x!tpu.dma_semaphore, #tpu.memory_space<semaphore_mem>> -> memref<!tpu.dma_semaphore, #tpu.memory_space<semaphore_mem>>
        tpu.wait_indirect_dma semaphore(%dma_wait3A_389 : memref<!tpu.dma_semaphore, #tpu.memory_space<semaphore_mem>>) src(%dma_wait3A_387 : memref<1000000x64xf32, #tpu.memory_space<hbm>>) dst(%dma_wait3A_384 : memref<200x64xf32, #tpu.memory_space<vmem>>)
        %add3A_390 = arith.addi %mul3A_4, %sub3A_215 : i32
        %dma_start3A = arith.constant 3 : i32
        %dma_start3A_391 = arith.constant 3 : i32
        %dma_start3A_392 = arith.constant 0 : i32
        %dma_start3A_393 = arith.constant 0 : i32
        %dma_start3A_394 = tpu.memref_slice %arg7[%dma_start3A, %dma_start3A_392, %dma_start3A_393] : memref<7x200x64xf32, #tpu.memory_space<vmem>> -> memref<1x200x64xf32, #tpu.memory_space<vmem>>
        %dma_start3A_395 = tpu.memref_squeeze %dma_start3A_394 : memref<1x200x64xf32, #tpu.memory_space<vmem>> -> memref<200x64xf32, #tpu.memory_space<vmem>>
        %dma_start3A_396 = arith.constant 0 : i32
        %dma_start3A_397 = arith.constant 0 : i32
        %dma_start3A_398 = tpu.memref_slice %arg5[%add3A_390, %dma_start3A_396, %dma_start3A_397] : memref<4096x200x128xf32, #tpu.memory_space<hbm>> -> memref<1x200x64xf32, #tpu.memory_space<hbm>>
        %dma_start3A_399 = tpu.memref_squeeze %dma_start3A_398 : memref<1x200x64xf32, #tpu.memory_space<hbm>> -> memref<200x64xf32, #tpu.memory_space<hbm>>
        %dma_start3A_400 = tpu.memref_slice %arg18[%dma_start3A_391] : memref<7x!tpu.dma_semaphore, #tpu.memory_space<semaphore_mem>> -> memref<1x!tpu.dma_semaphore, #tpu.memory_space<semaphore_mem>>
        %dma_start3A_401 = tpu.memref_squeeze %dma_start3A_400 : memref<1x!tpu.dma_semaphore, #tpu.memory_space<semaphore_mem>> -> memref<!tpu.dma_semaphore, #tpu.memory_space<semaphore_mem>>
        %dma_start3A_402 = arith.constant 0 : i32
        %dma_start3A_403 = arith.constant 0 : i32
        %dma_start3A_404 = tpu.memref_slice %arg5[%add3A_390, %dma_start3A_402, %dma_start3A_403] : memref<4096x200x128xf32, #tpu.memory_space<hbm>> -> memref<1x200x64xf32, #tpu.memory_space<hbm>>
        %dma_start3A_405 = tpu.memref_squeeze %dma_start3A_404 : memref<1x200x64xf32, #tpu.memory_space<hbm>> -> memref<200x64xf32, #tpu.memory_space<hbm>>
        %dma_start3A_406 = arith.constant 0 : i32
        %dma_start3A_407 = arith.constant 0 : i32
        %dma_start3A_408 = tpu.memref_slice %arg7[%dma_start3A, %dma_start3A_406, %dma_start3A_407] : memref<7x200x64xf32, #tpu.memory_space<vmem>> -> memref<1x200x64xf32, #tpu.memory_space<vmem>>
        %dma_start3A_409 = tpu.memref_squeeze %dma_start3A_408 : memref<1x200x64xf32, #tpu.memory_space<vmem>> -> memref<200x64xf32, #tpu.memory_space<vmem>>
        tpu.enqueue_dma source(%dma_start3A_409 : memref<200x64xf32, #tpu.memory_space<vmem>>) target(%dma_start3A_405 : memref<200x64xf32, #tpu.memory_space<hbm>>) target_semaphore(%dma_start3A_401 : memref<!tpu.dma_semaphore, #tpu.memory_space<semaphore_mem>>)
      } else {
      }
      %mul3A_224 = arith.constant 7 : i32
      %mul3A_225 = arith.muli %scan3A_165, %mul3A_224 : i32
      %add3A_226 = arith.constant 2 : i32
      %add3A_227 = arith.addi %mul3A_225, %add3A_226 : i32
      %lt3A_228 = arith.constant 128 : i32
      %lt3A_229 = arith.cmpi slt, %add3A_227, %lt3A_228 : i32
      %convert_element_type3A_230 = arith.extui %lt3A_229 : i1 to i32
      %cond3A_231 = arith.constant 0 : i32
      %cond3A_232 = arith.cmpi ne, %convert_element_type3A_230, %cond3A_231 : i32
      scf.if %cond3A_232 {
        %ge3A_379 = arith.constant 7 : i32
        %ge3A_380 = arith.cmpi sge, %add3A_227, %ge3A_379 : i32
        %convert_element_type3A_381 = arith.extui %ge3A_380 : i1 to i32
        %cond3A_382 = arith.constant 0 : i32
        %cond3A_383 = arith.cmpi ne, %convert_element_type3A_381, %cond3A_382 : i32
        scf.if %cond3A_383 {
          %sub3A_405 = arith.constant 7 : i32
          %sub3A_406 = arith.subi %add3A_227, %sub3A_405 : i32
          %add3A_407 = arith.addi %mul3A_4, %sub3A_406 : i32
          %dma_wait3A_408 = arith.constant 2 : i32
          %dma_wait3A_409 = arith.constant 2 : i32
          %dma_wait3A_410 = arith.constant 0 : i32
          %dma_wait3A_411 = arith.constant 0 : i32
          %dma_wait3A_412 = tpu.memref_slice %arg7[%dma_wait3A_408, %dma_wait3A_410, %dma_wait3A_411] : memref<7x200x64xf32, #tpu.memory_space<vmem>> -> memref<1x200x64xf32, #tpu.memory_space<vmem>>
          %dma_wait3A_413 = tpu.memref_squeeze %dma_wait3A_412 : memref<1x200x64xf32, #tpu.memory_space<vmem>> -> memref<200x64xf32, #tpu.memory_space<vmem>>
          %dma_wait3A_414 = arith.constant 0 : i32
          %dma_wait3A_415 = arith.constant 0 : i32
          %dma_wait3A_416 = tpu.memref_slice %arg5[%add3A_407, %dma_wait3A_414, %dma_wait3A_415] : memref<4096x200x128xf32, #tpu.memory_space<hbm>> -> memref<1x200x64xf32, #tpu.memory_space<hbm>>
          %dma_wait3A_417 = tpu.memref_squeeze %dma_wait3A_416 : memref<1x200x64xf32, #tpu.memory_space<hbm>> -> memref<200x64xf32, #tpu.memory_space<hbm>>
          %dma_wait3A_418 = tpu.memref_slice %arg18[%dma_wait3A_409] : memref<7x!tpu.dma_semaphore, #tpu.memory_space<semaphore_mem>> -> memref<1x!tpu.dma_semaphore, #tpu.memory_space<semaphore_mem>>
          %dma_wait3A_419 = tpu.memref_squeeze %dma_wait3A_418 : memref<1x!tpu.dma_semaphore, #tpu.memory_space<semaphore_mem>> -> memref<!tpu.dma_semaphore, #tpu.memory_space<semaphore_mem>>
          %dma_wait3A_420 = arith.constant 0 : i32
          %dma_wait3A_421 = arith.constant 0 : i32
          %dma_wait3A_422 = tpu.memref_slice %arg5[%add3A_407, %dma_wait3A_420, %dma_wait3A_421] : memref<4096x200x128xf32, #tpu.memory_space<hbm>> -> memref<1x200x64xf32, #tpu.memory_space<hbm>>
          %dma_wait3A_423 = tpu.memref_squeeze %dma_wait3A_422 : memref<1x200x64xf32, #tpu.memory_space<hbm>> -> memref<200x64xf32, #tpu.memory_space<hbm>>
          %dma_wait3A_424 = arith.constant 0 : i32
          %dma_wait3A_425 = arith.constant 0 : i32
          %dma_wait3A_426 = tpu.memref_slice %arg7[%dma_wait3A_408, %dma_wait3A_424, %dma_wait3A_425] : memref<7x200x64xf32, #tpu.memory_space<vmem>> -> memref<1x200x64xf32, #tpu.memory_space<vmem>>
          %dma_wait3A_427 = tpu.memref_squeeze %dma_wait3A_426 : memref<1x200x64xf32, #tpu.memory_space<vmem>> -> memref<200x64xf32, #tpu.memory_space<vmem>>
          tpu.wait_dma2 semaphore(%dma_wait3A_419 : memref<!tpu.dma_semaphore, #tpu.memory_space<semaphore_mem>>) src(%dma_wait3A_427 : memref<200x64xf32, #tpu.memory_space<vmem>>) dst(%dma_wait3A_423 : memref<200x64xf32, #tpu.memory_space<hbm>>)
        } else {
        }
        %add3A_384 = arith.addi %mul3A_4, %add3A_227 : i32
        %dma_start3A = arith.constant 2 : i32
        %dma_start3A_385 = arith.constant 0 : i32
        %dma_start3A_386 = tpu.memref_slice %arg2[%add3A_384, %dma_start3A_385] : memref<4096x200xi32, #tpu.memory_space<hbm>> -> memref<1x200xi32, #tpu.memory_space<hbm>>
        %dma_start3A_387 = tpu.memref_squeeze %dma_start3A_386 : memref<1x200xi32, #tpu.memory_space<hbm>> -> memref<200xi32, #tpu.memory_space<hbm>>
        %dma_start3A_388 = tpu.memref_slice %arg15[%dma_start3A] : memref<7x!tpu.dma_semaphore, #tpu.memory_space<semaphore_mem>> -> memref<1x!tpu.dma_semaphore, #tpu.memory_space<semaphore_mem>>
        %dma_start3A_389 = tpu.memref_squeeze %dma_start3A_388 : memref<1x!tpu.dma_semaphore, #tpu.memory_space<semaphore_mem>> -> memref<!tpu.dma_semaphore, #tpu.memory_space<semaphore_mem>>
        %dma_start3A_390 = arith.constant 0 : i32
        %dma_start3A_391 = tpu.memref_slice %arg2[%add3A_384, %dma_start3A_390] : memref<4096x200xi32, #tpu.memory_space<hbm>> -> memref<1x200xi32, #tpu.memory_space<hbm>>
        %dma_start3A_392 = tpu.memref_squeeze %dma_start3A_391 : memref<1x200xi32, #tpu.memory_space<hbm>> -> memref<200xi32, #tpu.memory_space<hbm>>
        tpu.enqueue_dma source(%dma_start3A_392 : memref<200xi32, #tpu.memory_space<hbm>>) target(%arg10 : memref<200xi32, #tpu.memory_space<vmem>>) target_semaphore(%dma_start3A_389 : memref<!tpu.dma_semaphore, #tpu.memory_space<semaphore_mem>>)
        %dma_start3A_393 = arith.constant 2 : i32
        %dma_start3A_394 = arith.constant 2 : i32
        %dma_start3A_395 = arith.constant 0 : i32
        %dma_start3A_396 = arith.constant 0 : i32
        %dma_start3A_397 = tpu.memref_slice %arg7[%dma_start3A_393, %dma_start3A_395, %dma_start3A_396] : memref<7x200x64xf32, #tpu.memory_space<vmem>> -> memref<1x200x64xf32, #tpu.memory_space<vmem>>
        %dma_start3A_398 = tpu.memref_squeeze %dma_start3A_397 : memref<1x200x64xf32, #tpu.memory_space<vmem>> -> memref<200x64xf32, #tpu.memory_space<vmem>>
        %dma_start3A_399 = tpu.memref_slice %arg16[%dma_start3A_394] : memref<7x!tpu.dma_semaphore, #tpu.memory_space<semaphore_mem>> -> memref<1x!tpu.dma_semaphore, #tpu.memory_space<semaphore_mem>>
        %dma_start3A_400 = tpu.memref_squeeze %dma_start3A_399 : memref<1x!tpu.dma_semaphore, #tpu.memory_space<semaphore_mem>> -> memref<!tpu.dma_semaphore, #tpu.memory_space<semaphore_mem>>
        %dma_start3A_401 = arith.constant 0 : i32
        %dma_start3A_402 = arith.constant 0 : i32
        %dma_start3A_403 = tpu.memref_slice %arg7[%dma_start3A_393, %dma_start3A_401, %dma_start3A_402] : memref<7x200x64xf32, #tpu.memory_space<vmem>> -> memref<1x200x64xf32, #tpu.memory_space<vmem>>
        %dma_start3A_404 = tpu.memref_squeeze %dma_start3A_403 : memref<1x200x64xf32, #tpu.memory_space<vmem>> -> memref<200x64xf32, #tpu.memory_space<vmem>>
        tpu.enqueue_dma source(%arg6 : memref<200x64xf32, #tpu.memory_space<vmem_shared>>) target(%dma_start3A_404 : memref<200x64xf32, #tpu.memory_space<vmem>>) target_semaphore(%dma_start3A_400 : memref<!tpu.dma_semaphore, #tpu.memory_space<semaphore_mem>>)
      } else {
      }
      %sub3A_233 = arith.constant 1 : i32
      %sub3A_234 = arith.subi %add3A_227, %sub3A_233 : i32
      %ge3A_235 = arith.constant 0 : i32
      %ge3A_236 = arith.cmpi sge, %sub3A_234, %ge3A_235 : i32
      %lt3A_237 = arith.constant 128 : i32
      %lt3A_238 = arith.cmpi slt, %sub3A_234, %lt3A_237 : i32
      %and3A_239 = arith.andi %ge3A_236, %lt3A_238 : i1
      %convert_element_type3A_240 = arith.extui %and3A_239 : i1 to i32
      %cond3A_241 = arith.constant 0 : i32
      %cond3A_242 = arith.cmpi ne, %convert_element_type3A_240, %cond3A_241 : i32
      scf.if %cond3A_242 {
        %add3A_379 = arith.addi %mul3A_4, %sub3A_234 : i32
        %dma_wait3A_380 = arith.constant 1 : i32
        %dma_wait3A_381 = arith.constant 0 : i32
        %dma_wait3A_382 = tpu.memref_slice %arg2[%add3A_379, %dma_wait3A_381] : memref<4096x200xi32, #tpu.memory_space<hbm>> -> memref<1x200xi32, #tpu.memory_space<hbm>>
        %dma_wait3A_383 = tpu.memref_squeeze %dma_wait3A_382 : memref<1x200xi32, #tpu.memory_space<hbm>> -> memref<200xi32, #tpu.memory_space<hbm>>
        %dma_wait3A_384 = tpu.memref_slice %arg15[%dma_wait3A_380] : memref<7x!tpu.dma_semaphore, #tpu.memory_space<semaphore_mem>> -> memref<1x!tpu.dma_semaphore, #tpu.memory_space<semaphore_mem>>
        %dma_wait3A_385 = tpu.memref_squeeze %dma_wait3A_384 : memref<1x!tpu.dma_semaphore, #tpu.memory_space<semaphore_mem>> -> memref<!tpu.dma_semaphore, #tpu.memory_space<semaphore_mem>>
        %dma_wait3A_386 = arith.constant 0 : i32
        %dma_wait3A_387 = tpu.memref_slice %arg2[%add3A_379, %dma_wait3A_386] : memref<4096x200xi32, #tpu.memory_space<hbm>> -> memref<1x200xi32, #tpu.memory_space<hbm>>
        %dma_wait3A_388 = tpu.memref_squeeze %dma_wait3A_387 : memref<1x200xi32, #tpu.memory_space<hbm>> -> memref<200xi32, #tpu.memory_space<hbm>>
        tpu.wait_dma2 semaphore(%dma_wait3A_385 : memref<!tpu.dma_semaphore, #tpu.memory_space<semaphore_mem>>) src(%dma_wait3A_388 : memref<200xi32, #tpu.memory_space<hbm>>) dst(%arg9 : memref<200xi32, #tpu.memory_space<vmem>>)
        %dma_wait3A_389 = arith.constant 1 : i32
        %dma_wait3A_390 = arith.constant 1 : i32
        %dma_wait3A_391 = arith.constant 0 : i32
        %dma_wait3A_392 = arith.constant 0 : i32
        %dma_wait3A_393 = tpu.memref_slice %arg7[%dma_wait3A_389, %dma_wait3A_391, %dma_wait3A_392] : memref<7x200x64xf32, #tpu.memory_space<vmem>> -> memref<1x200x64xf32, #tpu.memory_space<vmem>>
        %dma_wait3A_394 = tpu.memref_squeeze %dma_wait3A_393 : memref<1x200x64xf32, #tpu.memory_space<vmem>> -> memref<200x64xf32, #tpu.memory_space<vmem>>
        %dma_wait3A_395 = tpu.memref_slice %arg16[%dma_wait3A_390] : memref<7x!tpu.dma_semaphore, #tpu.memory_space<semaphore_mem>> -> memref<1x!tpu.dma_semaphore, #tpu.memory_space<semaphore_mem>>
        %dma_wait3A_396 = tpu.memref_squeeze %dma_wait3A_395 : memref<1x!tpu.dma_semaphore, #tpu.memory_space<semaphore_mem>> -> memref<!tpu.dma_semaphore, #tpu.memory_space<semaphore_mem>>
        %dma_wait3A_397 = arith.constant 0 : i32
        %dma_wait3A_398 = arith.constant 0 : i32
        %dma_wait3A_399 = tpu.memref_slice %arg7[%dma_wait3A_389, %dma_wait3A_397, %dma_wait3A_398] : memref<7x200x64xf32, #tpu.memory_space<vmem>> -> memref<1x200x64xf32, #tpu.memory_space<vmem>>
        %dma_wait3A_400 = tpu.memref_squeeze %dma_wait3A_399 : memref<1x200x64xf32, #tpu.memory_space<vmem>> -> memref<200x64xf32, #tpu.memory_space<vmem>>
        tpu.wait_dma2 semaphore(%dma_wait3A_396 : memref<!tpu.dma_semaphore, #tpu.memory_space<semaphore_mem>>) src(%arg6 : memref<200x64xf32, #tpu.memory_space<vmem_shared>>) dst(%dma_wait3A_400 : memref<200x64xf32, #tpu.memory_space<vmem>>)
        %dma_start3A = arith.constant 1 : i32
        %dma_start3A_401 = arith.constant 1 : i32
        %dma_start3A_402 = arith.constant 0 : i32
        %dma_start3A_403 = arith.constant 0 : i32
        %dma_start3A_404 = tpu.memref_slice %arg7[%dma_start3A, %dma_start3A_402, %dma_start3A_403] : memref<7x200x64xf32, #tpu.memory_space<vmem>> -> memref<1x200x64xf32, #tpu.memory_space<vmem>>
        %dma_start3A_405 = tpu.memref_squeeze %dma_start3A_404 : memref<1x200x64xf32, #tpu.memory_space<vmem>> -> memref<200x64xf32, #tpu.memory_space<vmem>>
        %dma_start3A_406 = arith.constant 0 : i32
        %dma_start3A_407 = arith.constant 0 : i32
        %dma_start3A_408 = tpu.memref_slice %arg3[%dma_start3A_406, %dma_start3A_407] : memref<1000000x64xf32, #tpu.memory_space<hbm>> -> memref<1000000x64xf32, #tpu.memory_space<hbm>>
        %dma_start3A_409 = tpu.memref_slice %arg17[%dma_start3A_401] : memref<7x!tpu.dma_semaphore, #tpu.memory_space<semaphore_mem>> -> memref<1x!tpu.dma_semaphore, #tpu.memory_space<semaphore_mem>>
        %dma_start3A_410 = tpu.memref_squeeze %dma_start3A_409 : memref<1x!tpu.dma_semaphore, #tpu.memory_space<semaphore_mem>> -> memref<!tpu.dma_semaphore, #tpu.memory_space<semaphore_mem>>
        tpu.enqueue_indirect_dma source(%dma_start3A_408 : memref<1000000x64xf32, #tpu.memory_space<hbm>>) target(%dma_start3A_405 : memref<200x64xf32, #tpu.memory_space<vmem>>) offsets(%arg9 : memref<200xi32, #tpu.memory_space<vmem>>) semaphore(%dma_start3A_410 : memref<!tpu.dma_semaphore, #tpu.memory_space<semaphore_mem>>) {add = true}
      } else {
      }
      %sub3A_243 = arith.constant 1 : i32
      %sub3A_244 = arith.subi %add3A_227, %sub3A_243 : i32
      %sub3A_245 = arith.constant 4 : i32
      %sub3A_246 = arith.subi %sub3A_244, %sub3A_245 : i32
      %ge3A_247 = arith.constant 0 : i32
      %ge3A_248 = arith.cmpi sge, %sub3A_246, %ge3A_247 : i32
      %lt3A_249 = arith.constant 128 : i32
      %lt3A_250 = arith.cmpi slt, %sub3A_246, %lt3A_249 : i32
      %and3A_251 = arith.andi %ge3A_248, %lt3A_250 : i1
      %convert_element_type3A_252 = arith.extui %and3A_251 : i1 to i32
      %cond3A_253 = arith.constant 0 : i32
      %cond3A_254 = arith.cmpi ne, %convert_element_type3A_252, %cond3A_253 : i32
      scf.if %cond3A_254 {
        %dma_wait3A_379 = arith.constant 4 : i32
        %dma_wait3A_380 = arith.constant 4 : i32
        %dma_wait3A_381 = arith.constant 0 : i32
        %dma_wait3A_382 = arith.constant 0 : i32
        %dma_wait3A_383 = tpu.memref_slice %arg7[%dma_wait3A_379, %dma_wait3A_381, %dma_wait3A_382] : memref<7x200x64xf32, #tpu.memory_space<vmem>> -> memref<1x200x64xf32, #tpu.memory_space<vmem>>
        %dma_wait3A_384 = tpu.memref_squeeze %dma_wait3A_383 : memref<1x200x64xf32, #tpu.memory_space<vmem>> -> memref<200x64xf32, #tpu.memory_space<vmem>>
        %dma_wait3A_385 = arith.constant 0 : i32
        %dma_wait3A_386 = arith.constant 0 : i32
        %dma_wait3A_387 = tpu.memref_slice %arg3[%dma_wait3A_385, %dma_wait3A_386] : memref<1000000x64xf32, #tpu.memory_space<hbm>> -> memref<1000000x64xf32, #tpu.memory_space<hbm>>
        %dma_wait3A_388 = tpu.memref_slice %arg17[%dma_wait3A_380] : memref<7x!tpu.dma_semaphore, #tpu.memory_space<semaphore_mem>> -> memref<1x!tpu.dma_semaphore, #tpu.memory_space<semaphore_mem>>
        %dma_wait3A_389 = tpu.memref_squeeze %dma_wait3A_388 : memref<1x!tpu.dma_semaphore, #tpu.memory_space<semaphore_mem>> -> memref<!tpu.dma_semaphore, #tpu.memory_space<semaphore_mem>>
        tpu.wait_indirect_dma semaphore(%dma_wait3A_389 : memref<!tpu.dma_semaphore, #tpu.memory_space<semaphore_mem>>) src(%dma_wait3A_387 : memref<1000000x64xf32, #tpu.memory_space<hbm>>) dst(%dma_wait3A_384 : memref<200x64xf32, #tpu.memory_space<vmem>>)
        %add3A_390 = arith.addi %mul3A_4, %sub3A_246 : i32
        %dma_start3A = arith.constant 4 : i32
        %dma_start3A_391 = arith.constant 4 : i32
        %dma_start3A_392 = arith.constant 0 : i32
        %dma_start3A_393 = arith.constant 0 : i32
        %dma_start3A_394 = tpu.memref_slice %arg7[%dma_start3A, %dma_start3A_392, %dma_start3A_393] : memref<7x200x64xf32, #tpu.memory_space<vmem>> -> memref<1x200x64xf32, #tpu.memory_space<vmem>>
        %dma_start3A_395 = tpu.memref_squeeze %dma_start3A_394 : memref<1x200x64xf32, #tpu.memory_space<vmem>> -> memref<200x64xf32, #tpu.memory_space<vmem>>
        %dma_start3A_396 = arith.constant 0 : i32
        %dma_start3A_397 = arith.constant 0 : i32
        %dma_start3A_398 = tpu.memref_slice %arg5[%add3A_390, %dma_start3A_396, %dma_start3A_397] : memref<4096x200x128xf32, #tpu.memory_space<hbm>> -> memref<1x200x64xf32, #tpu.memory_space<hbm>>
        %dma_start3A_399 = tpu.memref_squeeze %dma_start3A_398 : memref<1x200x64xf32, #tpu.memory_space<hbm>> -> memref<200x64xf32, #tpu.memory_space<hbm>>
        %dma_start3A_400 = tpu.memref_slice %arg18[%dma_start3A_391] : memref<7x!tpu.dma_semaphore, #tpu.memory_space<semaphore_mem>> -> memref<1x!tpu.dma_semaphore, #tpu.memory_space<semaphore_mem>>
        %dma_start3A_401 = tpu.memref_squeeze %dma_start3A_400 : memref<1x!tpu.dma_semaphore, #tpu.memory_space<semaphore_mem>> -> memref<!tpu.dma_semaphore, #tpu.memory_space<semaphore_mem>>
        %dma_start3A_402 = arith.constant 0 : i32
        %dma_start3A_403 = arith.constant 0 : i32
        %dma_start3A_404 = tpu.memref_slice %arg5[%add3A_390, %dma_start3A_402, %dma_start3A_403] : memref<4096x200x128xf32, #tpu.memory_space<hbm>> -> memref<1x200x64xf32, #tpu.memory_space<hbm>>
        %dma_start3A_405 = tpu.memref_squeeze %dma_start3A_404 : memref<1x200x64xf32, #tpu.memory_space<hbm>> -> memref<200x64xf32, #tpu.memory_space<hbm>>
        %dma_start3A_406 = arith.constant 0 : i32
        %dma_start3A_407 = arith.constant 0 : i32
        %dma_start3A_408 = tpu.memref_slice %arg7[%dma_start3A, %dma_start3A_406, %dma_start3A_407] : memref<7x200x64xf32, #tpu.memory_space<vmem>> -> memref<1x200x64xf32, #tpu.memory_space<vmem>>
        %dma_start3A_409 = tpu.memref_squeeze %dma_start3A_408 : memref<1x200x64xf32, #tpu.memory_space<vmem>> -> memref<200x64xf32, #tpu.memory_space<vmem>>
        tpu.enqueue_dma source(%dma_start3A_409 : memref<200x64xf32, #tpu.memory_space<vmem>>) target(%dma_start3A_405 : memref<200x64xf32, #tpu.memory_space<hbm>>) target_semaphore(%dma_start3A_401 : memref<!tpu.dma_semaphore, #tpu.memory_space<semaphore_mem>>)
      } else {
      }
      %mul3A_255 = arith.constant 7 : i32
      %mul3A_256 = arith.muli %scan3A_165, %mul3A_255 : i32
      %add3A_257 = arith.constant 3 : i32
      %add3A_258 = arith.addi %mul3A_256, %add3A_257 : i32
      %lt3A_259 = arith.constant 128 : i32
      %lt3A_260 = arith.cmpi slt, %add3A_258, %lt3A_259 : i32
      %convert_element_type3A_261 = arith.extui %lt3A_260 : i1 to i32
      %cond3A_262 = arith.constant 0 : i32
      %cond3A_263 = arith.cmpi ne, %convert_element_type3A_261, %cond3A_262 : i32
      scf.if %cond3A_263 {
        %ge3A_379 = arith.constant 7 : i32
        %ge3A_380 = arith.cmpi sge, %add3A_258, %ge3A_379 : i32
        %convert_element_type3A_381 = arith.extui %ge3A_380 : i1 to i32
        %cond3A_382 = arith.constant 0 : i32
        %cond3A_383 = arith.cmpi ne, %convert_element_type3A_381, %cond3A_382 : i32
        scf.if %cond3A_383 {
          %sub3A_405 = arith.constant 7 : i32
          %sub3A_406 = arith.subi %add3A_258, %sub3A_405 : i32
          %add3A_407 = arith.addi %mul3A_4, %sub3A_406 : i32
          %dma_wait3A_408 = arith.constant 3 : i32
          %dma_wait3A_409 = arith.constant 3 : i32
          %dma_wait3A_410 = arith.constant 0 : i32
          %dma_wait3A_411 = arith.constant 0 : i32
          %dma_wait3A_412 = tpu.memref_slice %arg7[%dma_wait3A_408, %dma_wait3A_410, %dma_wait3A_411] : memref<7x200x64xf32, #tpu.memory_space<vmem>> -> memref<1x200x64xf32, #tpu.memory_space<vmem>>
          %dma_wait3A_413 = tpu.memref_squeeze %dma_wait3A_412 : memref<1x200x64xf32, #tpu.memory_space<vmem>> -> memref<200x64xf32, #tpu.memory_space<vmem>>
          %dma_wait3A_414 = arith.constant 0 : i32
          %dma_wait3A_415 = arith.constant 0 : i32
          %dma_wait3A_416 = tpu.memref_slice %arg5[%add3A_407, %dma_wait3A_414, %dma_wait3A_415] : memref<4096x200x128xf32, #tpu.memory_space<hbm>> -> memref<1x200x64xf32, #tpu.memory_space<hbm>>
          %dma_wait3A_417 = tpu.memref_squeeze %dma_wait3A_416 : memref<1x200x64xf32, #tpu.memory_space<hbm>> -> memref<200x64xf32, #tpu.memory_space<hbm>>
          %dma_wait3A_418 = tpu.memref_slice %arg18[%dma_wait3A_409] : memref<7x!tpu.dma_semaphore, #tpu.memory_space<semaphore_mem>> -> memref<1x!tpu.dma_semaphore, #tpu.memory_space<semaphore_mem>>
          %dma_wait3A_419 = tpu.memref_squeeze %dma_wait3A_418 : memref<1x!tpu.dma_semaphore, #tpu.memory_space<semaphore_mem>> -> memref<!tpu.dma_semaphore, #tpu.memory_space<semaphore_mem>>
          %dma_wait3A_420 = arith.constant 0 : i32
          %dma_wait3A_421 = arith.constant 0 : i32
          %dma_wait3A_422 = tpu.memref_slice %arg5[%add3A_407, %dma_wait3A_420, %dma_wait3A_421] : memref<4096x200x128xf32, #tpu.memory_space<hbm>> -> memref<1x200x64xf32, #tpu.memory_space<hbm>>
          %dma_wait3A_423 = tpu.memref_squeeze %dma_wait3A_422 : memref<1x200x64xf32, #tpu.memory_space<hbm>> -> memref<200x64xf32, #tpu.memory_space<hbm>>
          %dma_wait3A_424 = arith.constant 0 : i32
          %dma_wait3A_425 = arith.constant 0 : i32
          %dma_wait3A_426 = tpu.memref_slice %arg7[%dma_wait3A_408, %dma_wait3A_424, %dma_wait3A_425] : memref<7x200x64xf32, #tpu.memory_space<vmem>> -> memref<1x200x64xf32, #tpu.memory_space<vmem>>
          %dma_wait3A_427 = tpu.memref_squeeze %dma_wait3A_426 : memref<1x200x64xf32, #tpu.memory_space<vmem>> -> memref<200x64xf32, #tpu.memory_space<vmem>>
          tpu.wait_dma2 semaphore(%dma_wait3A_419 : memref<!tpu.dma_semaphore, #tpu.memory_space<semaphore_mem>>) src(%dma_wait3A_427 : memref<200x64xf32, #tpu.memory_space<vmem>>) dst(%dma_wait3A_423 : memref<200x64xf32, #tpu.memory_space<hbm>>)
        } else {
        }
        %add3A_384 = arith.addi %mul3A_4, %add3A_258 : i32
        %dma_start3A = arith.constant 3 : i32
        %dma_start3A_385 = arith.constant 0 : i32
        %dma_start3A_386 = tpu.memref_slice %arg2[%add3A_384, %dma_start3A_385] : memref<4096x200xi32, #tpu.memory_space<hbm>> -> memref<1x200xi32, #tpu.memory_space<hbm>>
        %dma_start3A_387 = tpu.memref_squeeze %dma_start3A_386 : memref<1x200xi32, #tpu.memory_space<hbm>> -> memref<200xi32, #tpu.memory_space<hbm>>
        %dma_start3A_388 = tpu.memref_slice %arg15[%dma_start3A] : memref<7x!tpu.dma_semaphore, #tpu.memory_space<semaphore_mem>> -> memref<1x!tpu.dma_semaphore, #tpu.memory_space<semaphore_mem>>
        %dma_start3A_389 = tpu.memref_squeeze %dma_start3A_388 : memref<1x!tpu.dma_semaphore, #tpu.memory_space<semaphore_mem>> -> memref<!tpu.dma_semaphore, #tpu.memory_space<semaphore_mem>>
        %dma_start3A_390 = arith.constant 0 : i32
        %dma_start3A_391 = tpu.memref_slice %arg2[%add3A_384, %dma_start3A_390] : memref<4096x200xi32, #tpu.memory_space<hbm>> -> memref<1x200xi32, #tpu.memory_space<hbm>>
        %dma_start3A_392 = tpu.memref_squeeze %dma_start3A_391 : memref<1x200xi32, #tpu.memory_space<hbm>> -> memref<200xi32, #tpu.memory_space<hbm>>
        tpu.enqueue_dma source(%dma_start3A_392 : memref<200xi32, #tpu.memory_space<hbm>>) target(%arg11 : memref<200xi32, #tpu.memory_space<vmem>>) target_semaphore(%dma_start3A_389 : memref<!tpu.dma_semaphore, #tpu.memory_space<semaphore_mem>>)
        %dma_start3A_393 = arith.constant 3 : i32
        %dma_start3A_394 = arith.constant 3 : i32
        %dma_start3A_395 = arith.constant 0 : i32
        %dma_start3A_396 = arith.constant 0 : i32
        %dma_start3A_397 = tpu.memref_slice %arg7[%dma_start3A_393, %dma_start3A_395, %dma_start3A_396] : memref<7x200x64xf32, #tpu.memory_space<vmem>> -> memref<1x200x64xf32, #tpu.memory_space<vmem>>
        %dma_start3A_398 = tpu.memref_squeeze %dma_start3A_397 : memref<1x200x64xf32, #tpu.memory_space<vmem>> -> memref<200x64xf32, #tpu.memory_space<vmem>>
        %dma_start3A_399 = tpu.memref_slice %arg16[%dma_start3A_394] : memref<7x!tpu.dma_semaphore, #tpu.memory_space<semaphore_mem>> -> memref<1x!tpu.dma_semaphore, #tpu.memory_space<semaphore_mem>>
        %dma_start3A_400 = tpu.memref_squeeze %dma_start3A_399 : memref<1x!tpu.dma_semaphore, #tpu.memory_space<semaphore_mem>> -> memref<!tpu.dma_semaphore, #tpu.memory_space<semaphore_mem>>
        %dma_start3A_401 = arith.constant 0 : i32
        %dma_start3A_402 = arith.constant 0 : i32
        %dma_start3A_403 = tpu.memref_slice %arg7[%dma_start3A_393, %dma_start3A_401, %dma_start3A_402] : memref<7x200x64xf32, #tpu.memory_space<vmem>> -> memref<1x200x64xf32, #tpu.memory_space<vmem>>
        %dma_start3A_404 = tpu.memref_squeeze %dma_start3A_403 : memref<1x200x64xf32, #tpu.memory_space<vmem>> -> memref<200x64xf32, #tpu.memory_space<vmem>>
        tpu.enqueue_dma source(%arg6 : memref<200x64xf32, #tpu.memory_space<vmem_shared>>) target(%dma_start3A_404 : memref<200x64xf32, #tpu.memory_space<vmem>>) target_semaphore(%dma_start3A_400 : memref<!tpu.dma_semaphore, #tpu.memory_space<semaphore_mem>>)
      } else {
      }
      %sub3A_264 = arith.constant 1 : i32
      %sub3A_265 = arith.subi %add3A_258, %sub3A_264 : i32
      %ge3A_266 = arith.constant 0 : i32
      %ge3A_267 = arith.cmpi sge, %sub3A_265, %ge3A_266 : i32
      %lt3A_268 = arith.constant 128 : i32
      %lt3A_269 = arith.cmpi slt, %sub3A_265, %lt3A_268 : i32
      %and3A_270 = arith.andi %ge3A_267, %lt3A_269 : i1
      %convert_element_type3A_271 = arith.extui %and3A_270 : i1 to i32
      %cond3A_272 = arith.constant 0 : i32
      %cond3A_273 = arith.cmpi ne, %convert_element_type3A_271, %cond3A_272 : i32
      scf.if %cond3A_273 {
        %add3A_379 = arith.addi %mul3A_4, %sub3A_265 : i32
        %dma_wait3A_380 = arith.constant 2 : i32
        %dma_wait3A_381 = arith.constant 0 : i32
        %dma_wait3A_382 = tpu.memref_slice %arg2[%add3A_379, %dma_wait3A_381] : memref<4096x200xi32, #tpu.memory_space<hbm>> -> memref<1x200xi32, #tpu.memory_space<hbm>>
        %dma_wait3A_383 = tpu.memref_squeeze %dma_wait3A_382 : memref<1x200xi32, #tpu.memory_space<hbm>> -> memref<200xi32, #tpu.memory_space<hbm>>
        %dma_wait3A_384 = tpu.memref_slice %arg15[%dma_wait3A_380] : memref<7x!tpu.dma_semaphore, #tpu.memory_space<semaphore_mem>> -> memref<1x!tpu.dma_semaphore, #tpu.memory_space<semaphore_mem>>
        %dma_wait3A_385 = tpu.memref_squeeze %dma_wait3A_384 : memref<1x!tpu.dma_semaphore, #tpu.memory_space<semaphore_mem>> -> memref<!tpu.dma_semaphore, #tpu.memory_space<semaphore_mem>>
        %dma_wait3A_386 = arith.constant 0 : i32
        %dma_wait3A_387 = tpu.memref_slice %arg2[%add3A_379, %dma_wait3A_386] : memref<4096x200xi32, #tpu.memory_space<hbm>> -> memref<1x200xi32, #tpu.memory_space<hbm>>
        %dma_wait3A_388 = tpu.memref_squeeze %dma_wait3A_387 : memref<1x200xi32, #tpu.memory_space<hbm>> -> memref<200xi32, #tpu.memory_space<hbm>>
        tpu.wait_dma2 semaphore(%dma_wait3A_385 : memref<!tpu.dma_semaphore, #tpu.memory_space<semaphore_mem>>) src(%dma_wait3A_388 : memref<200xi32, #tpu.memory_space<hbm>>) dst(%arg10 : memref<200xi32, #tpu.memory_space<vmem>>)
        %dma_wait3A_389 = arith.constant 2 : i32
        %dma_wait3A_390 = arith.constant 2 : i32
        %dma_wait3A_391 = arith.constant 0 : i32
        %dma_wait3A_392 = arith.constant 0 : i32
        %dma_wait3A_393 = tpu.memref_slice %arg7[%dma_wait3A_389, %dma_wait3A_391, %dma_wait3A_392] : memref<7x200x64xf32, #tpu.memory_space<vmem>> -> memref<1x200x64xf32, #tpu.memory_space<vmem>>
        %dma_wait3A_394 = tpu.memref_squeeze %dma_wait3A_393 : memref<1x200x64xf32, #tpu.memory_space<vmem>> -> memref<200x64xf32, #tpu.memory_space<vmem>>
        %dma_wait3A_395 = tpu.memref_slice %arg16[%dma_wait3A_390] : memref<7x!tpu.dma_semaphore, #tpu.memory_space<semaphore_mem>> -> memref<1x!tpu.dma_semaphore, #tpu.memory_space<semaphore_mem>>
        %dma_wait3A_396 = tpu.memref_squeeze %dma_wait3A_395 : memref<1x!tpu.dma_semaphore, #tpu.memory_space<semaphore_mem>> -> memref<!tpu.dma_semaphore, #tpu.memory_space<semaphore_mem>>
        %dma_wait3A_397 = arith.constant 0 : i32
        %dma_wait3A_398 = arith.constant 0 : i32
        %dma_wait3A_399 = tpu.memref_slice %arg7[%dma_wait3A_389, %dma_wait3A_397, %dma_wait3A_398] : memref<7x200x64xf32, #tpu.memory_space<vmem>> -> memref<1x200x64xf32, #tpu.memory_space<vmem>>
        %dma_wait3A_400 = tpu.memref_squeeze %dma_wait3A_399 : memref<1x200x64xf32, #tpu.memory_space<vmem>> -> memref<200x64xf32, #tpu.memory_space<vmem>>
        tpu.wait_dma2 semaphore(%dma_wait3A_396 : memref<!tpu.dma_semaphore, #tpu.memory_space<semaphore_mem>>) src(%arg6 : memref<200x64xf32, #tpu.memory_space<vmem_shared>>) dst(%dma_wait3A_400 : memref<200x64xf32, #tpu.memory_space<vmem>>)
        %dma_start3A = arith.constant 2 : i32
        %dma_start3A_401 = arith.constant 2 : i32
        %dma_start3A_402 = arith.constant 0 : i32
        %dma_start3A_403 = arith.constant 0 : i32
        %dma_start3A_404 = tpu.memref_slice %arg7[%dma_start3A, %dma_start3A_402, %dma_start3A_403] : memref<7x200x64xf32, #tpu.memory_space<vmem>> -> memref<1x200x64xf32, #tpu.memory_space<vmem>>
        %dma_start3A_405 = tpu.memref_squeeze %dma_start3A_404 : memref<1x200x64xf32, #tpu.memory_space<vmem>> -> memref<200x64xf32, #tpu.memory_space<vmem>>
        %dma_start3A_406 = arith.constant 0 : i32
        %dma_start3A_407 = arith.constant 0 : i32
        %dma_start3A_408 = tpu.memref_slice %arg3[%dma_start3A_406, %dma_start3A_407] : memref<1000000x64xf32, #tpu.memory_space<hbm>> -> memref<1000000x64xf32, #tpu.memory_space<hbm>>
        %dma_start3A_409 = tpu.memref_slice %arg17[%dma_start3A_401] : memref<7x!tpu.dma_semaphore, #tpu.memory_space<semaphore_mem>> -> memref<1x!tpu.dma_semaphore, #tpu.memory_space<semaphore_mem>>
        %dma_start3A_410 = tpu.memref_squeeze %dma_start3A_409 : memref<1x!tpu.dma_semaphore, #tpu.memory_space<semaphore_mem>> -> memref<!tpu.dma_semaphore, #tpu.memory_space<semaphore_mem>>
        tpu.enqueue_indirect_dma source(%dma_start3A_408 : memref<1000000x64xf32, #tpu.memory_space<hbm>>) target(%dma_start3A_405 : memref<200x64xf32, #tpu.memory_space<vmem>>) offsets(%arg10 : memref<200xi32, #tpu.memory_space<vmem>>) semaphore(%dma_start3A_410 : memref<!tpu.dma_semaphore, #tpu.memory_space<semaphore_mem>>) {add = true}
      } else {
      }
      %sub3A_274 = arith.constant 1 : i32
      %sub3A_275 = arith.subi %add3A_258, %sub3A_274 : i32
      %sub3A_276 = arith.constant 4 : i32
      %sub3A_277 = arith.subi %sub3A_275, %sub3A_276 : i32
      %ge3A_278 = arith.constant 0 : i32
      %ge3A_279 = arith.cmpi sge, %sub3A_277, %ge3A_278 : i32
      %lt3A_280 = arith.constant 128 : i32
      %lt3A_281 = arith.cmpi slt, %sub3A_277, %lt3A_280 : i32
      %and3A_282 = arith.andi %ge3A_279, %lt3A_281 : i1
      %convert_element_type3A_283 = arith.extui %and3A_282 : i1 to i32
      %cond3A_284 = arith.constant 0 : i32
      %cond3A_285 = arith.cmpi ne, %convert_element_type3A_283, %cond3A_284 : i32
      scf.if %cond3A_285 {
        %dma_wait3A_379 = arith.constant 5 : i32
        %dma_wait3A_380 = arith.constant 5 : i32
        %dma_wait3A_381 = arith.constant 0 : i32
        %dma_wait3A_382 = arith.constant 0 : i32
        %dma_wait3A_383 = tpu.memref_slice %arg7[%dma_wait3A_379, %dma_wait3A_381, %dma_wait3A_382] : memref<7x200x64xf32, #tpu.memory_space<vmem>> -> memref<1x200x64xf32, #tpu.memory_space<vmem>>
        %dma_wait3A_384 = tpu.memref_squeeze %dma_wait3A_383 : memref<1x200x64xf32, #tpu.memory_space<vmem>> -> memref<200x64xf32, #tpu.memory_space<vmem>>
        %dma_wait3A_385 = arith.constant 0 : i32
        %dma_wait3A_386 = arith.constant 0 : i32
        %dma_wait3A_387 = tpu.memref_slice %arg3[%dma_wait3A_385, %dma_wait3A_386] : memref<1000000x64xf32, #tpu.memory_space<hbm>> -> memref<1000000x64xf32, #tpu.memory_space<hbm>>
        %dma_wait3A_388 = tpu.memref_slice %arg17[%dma_wait3A_380] : memref<7x!tpu.dma_semaphore, #tpu.memory_space<semaphore_mem>> -> memref<1x!tpu.dma_semaphore, #tpu.memory_space<semaphore_mem>>
        %dma_wait3A_389 = tpu.memref_squeeze %dma_wait3A_388 : memref<1x!tpu.dma_semaphore, #tpu.memory_space<semaphore_mem>> -> memref<!tpu.dma_semaphore, #tpu.memory_space<semaphore_mem>>
        tpu.wait_indirect_dma semaphore(%dma_wait3A_389 : memref<!tpu.dma_semaphore, #tpu.memory_space<semaphore_mem>>) src(%dma_wait3A_387 : memref<1000000x64xf32, #tpu.memory_space<hbm>>) dst(%dma_wait3A_384 : memref<200x64xf32, #tpu.memory_space<vmem>>)
        %add3A_390 = arith.addi %mul3A_4, %sub3A_277 : i32
        %dma_start3A = arith.constant 5 : i32
        %dma_start3A_391 = arith.constant 5 : i32
        %dma_start3A_392 = arith.constant 0 : i32
        %dma_start3A_393 = arith.constant 0 : i32
        %dma_start3A_394 = tpu.memref_slice %arg7[%dma_start3A, %dma_start3A_392, %dma_start3A_393] : memref<7x200x64xf32, #tpu.memory_space<vmem>> -> memref<1x200x64xf32, #tpu.memory_space<vmem>>
        %dma_start3A_395 = tpu.memref_squeeze %dma_start3A_394 : memref<1x200x64xf32, #tpu.memory_space<vmem>> -> memref<200x64xf32, #tpu.memory_space<vmem>>
        %dma_start3A_396 = arith.constant 0 : i32
        %dma_start3A_397 = arith.constant 0 : i32
        %dma_start3A_398 = tpu.memref_slice %arg5[%add3A_390, %dma_start3A_396, %dma_start3A_397] : memref<4096x200x128xf32, #tpu.memory_space<hbm>> -> memref<1x200x64xf32, #tpu.memory_space<hbm>>
        %dma_start3A_399 = tpu.memref_squeeze %dma_start3A_398 : memref<1x200x64xf32, #tpu.memory_space<hbm>> -> memref<200x64xf32, #tpu.memory_space<hbm>>
        %dma_start3A_400 = tpu.memref_slice %arg18[%dma_start3A_391] : memref<7x!tpu.dma_semaphore, #tpu.memory_space<semaphore_mem>> -> memref<1x!tpu.dma_semaphore, #tpu.memory_space<semaphore_mem>>
        %dma_start3A_401 = tpu.memref_squeeze %dma_start3A_400 : memref<1x!tpu.dma_semaphore, #tpu.memory_space<semaphore_mem>> -> memref<!tpu.dma_semaphore, #tpu.memory_space<semaphore_mem>>
        %dma_start3A_402 = arith.constant 0 : i32
        %dma_start3A_403 = arith.constant 0 : i32
        %dma_start3A_404 = tpu.memref_slice %arg5[%add3A_390, %dma_start3A_402, %dma_start3A_403] : memref<4096x200x128xf32, #tpu.memory_space<hbm>> -> memref<1x200x64xf32, #tpu.memory_space<hbm>>
        %dma_start3A_405 = tpu.memref_squeeze %dma_start3A_404 : memref<1x200x64xf32, #tpu.memory_space<hbm>> -> memref<200x64xf32, #tpu.memory_space<hbm>>
        %dma_start3A_406 = arith.constant 0 : i32
        %dma_start3A_407 = arith.constant 0 : i32
        %dma_start3A_408 = tpu.memref_slice %arg7[%dma_start3A, %dma_start3A_406, %dma_start3A_407] : memref<7x200x64xf32, #tpu.memory_space<vmem>> -> memref<1x200x64xf32, #tpu.memory_space<vmem>>
        %dma_start3A_409 = tpu.memref_squeeze %dma_start3A_408 : memref<1x200x64xf32, #tpu.memory_space<vmem>> -> memref<200x64xf32, #tpu.memory_space<vmem>>
        tpu.enqueue_dma source(%dma_start3A_409 : memref<200x64xf32, #tpu.memory_space<vmem>>) target(%dma_start3A_405 : memref<200x64xf32, #tpu.memory_space<hbm>>) target_semaphore(%dma_start3A_401 : memref<!tpu.dma_semaphore, #tpu.memory_space<semaphore_mem>>)
      } else {
      }
      %mul3A_286 = arith.constant 7 : i32
      %mul3A_287 = arith.muli %scan3A_165, %mul3A_286 : i32
      %add3A_288 = arith.constant 4 : i32
      %add3A_289 = arith.addi %mul3A_287, %add3A_288 : i32
      %lt3A_290 = arith.constant 128 : i32
      %lt3A_291 = arith.cmpi slt, %add3A_289, %lt3A_290 : i32
      %convert_element_type3A_292 = arith.extui %lt3A_291 : i1 to i32
      %cond3A_293 = arith.constant 0 : i32
      %cond3A_294 = arith.cmpi ne, %convert_element_type3A_292, %cond3A_293 : i32
      scf.if %cond3A_294 {
        %ge3A_379 = arith.constant 7 : i32
        %ge3A_380 = arith.cmpi sge, %add3A_289, %ge3A_379 : i32
        %convert_element_type3A_381 = arith.extui %ge3A_380 : i1 to i32
        %cond3A_382 = arith.constant 0 : i32
        %cond3A_383 = arith.cmpi ne, %convert_element_type3A_381, %cond3A_382 : i32
        scf.if %cond3A_383 {
          %sub3A_405 = arith.constant 7 : i32
          %sub3A_406 = arith.subi %add3A_289, %sub3A_405 : i32
          %add3A_407 = arith.addi %mul3A_4, %sub3A_406 : i32
          %dma_wait3A_408 = arith.constant 4 : i32
          %dma_wait3A_409 = arith.constant 4 : i32
          %dma_wait3A_410 = arith.constant 0 : i32
          %dma_wait3A_411 = arith.constant 0 : i32
          %dma_wait3A_412 = tpu.memref_slice %arg7[%dma_wait3A_408, %dma_wait3A_410, %dma_wait3A_411] : memref<7x200x64xf32, #tpu.memory_space<vmem>> -> memref<1x200x64xf32, #tpu.memory_space<vmem>>
          %dma_wait3A_413 = tpu.memref_squeeze %dma_wait3A_412 : memref<1x200x64xf32, #tpu.memory_space<vmem>> -> memref<200x64xf32, #tpu.memory_space<vmem>>
          %dma_wait3A_414 = arith.constant 0 : i32
          %dma_wait3A_415 = arith.constant 0 : i32
          %dma_wait3A_416 = tpu.memref_slice %arg5[%add3A_407, %dma_wait3A_414, %dma_wait3A_415] : memref<4096x200x128xf32, #tpu.memory_space<hbm>> -> memref<1x200x64xf32, #tpu.memory_space<hbm>>
          %dma_wait3A_417 = tpu.memref_squeeze %dma_wait3A_416 : memref<1x200x64xf32, #tpu.memory_space<hbm>> -> memref<200x64xf32, #tpu.memory_space<hbm>>
          %dma_wait3A_418 = tpu.memref_slice %arg18[%dma_wait3A_409] : memref<7x!tpu.dma_semaphore, #tpu.memory_space<semaphore_mem>> -> memref<1x!tpu.dma_semaphore, #tpu.memory_space<semaphore_mem>>
          %dma_wait3A_419 = tpu.memref_squeeze %dma_wait3A_418 : memref<1x!tpu.dma_semaphore, #tpu.memory_space<semaphore_mem>> -> memref<!tpu.dma_semaphore, #tpu.memory_space<semaphore_mem>>
          %dma_wait3A_420 = arith.constant 0 : i32
          %dma_wait3A_421 = arith.constant 0 : i32
          %dma_wait3A_422 = tpu.memref_slice %arg5[%add3A_407, %dma_wait3A_420, %dma_wait3A_421] : memref<4096x200x128xf32, #tpu.memory_space<hbm>> -> memref<1x200x64xf32, #tpu.memory_space<hbm>>
          %dma_wait3A_423 = tpu.memref_squeeze %dma_wait3A_422 : memref<1x200x64xf32, #tpu.memory_space<hbm>> -> memref<200x64xf32, #tpu.memory_space<hbm>>
          %dma_wait3A_424 = arith.constant 0 : i32
          %dma_wait3A_425 = arith.constant 0 : i32
          %dma_wait3A_426 = tpu.memref_slice %arg7[%dma_wait3A_408, %dma_wait3A_424, %dma_wait3A_425] : memref<7x200x64xf32, #tpu.memory_space<vmem>> -> memref<1x200x64xf32, #tpu.memory_space<vmem>>
          %dma_wait3A_427 = tpu.memref_squeeze %dma_wait3A_426 : memref<1x200x64xf32, #tpu.memory_space<vmem>> -> memref<200x64xf32, #tpu.memory_space<vmem>>
          tpu.wait_dma2 semaphore(%dma_wait3A_419 : memref<!tpu.dma_semaphore, #tpu.memory_space<semaphore_mem>>) src(%dma_wait3A_427 : memref<200x64xf32, #tpu.memory_space<vmem>>) dst(%dma_wait3A_423 : memref<200x64xf32, #tpu.memory_space<hbm>>)
        } else {
        }
        %add3A_384 = arith.addi %mul3A_4, %add3A_289 : i32
        %dma_start3A = arith.constant 4 : i32
        %dma_start3A_385 = arith.constant 0 : i32
        %dma_start3A_386 = tpu.memref_slice %arg2[%add3A_384, %dma_start3A_385] : memref<4096x200xi32, #tpu.memory_space<hbm>> -> memref<1x200xi32, #tpu.memory_space<hbm>>
        %dma_start3A_387 = tpu.memref_squeeze %dma_start3A_386 : memref<1x200xi32, #tpu.memory_space<hbm>> -> memref<200xi32, #tpu.memory_space<hbm>>
        %dma_start3A_388 = tpu.memref_slice %arg15[%dma_start3A] : memref<7x!tpu.dma_semaphore, #tpu.memory_space<semaphore_mem>> -> memref<1x!tpu.dma_semaphore, #tpu.memory_space<semaphore_mem>>
        %dma_start3A_389 = tpu.memref_squeeze %dma_start3A_388 : memref<1x!tpu.dma_semaphore, #tpu.memory_space<semaphore_mem>> -> memref<!tpu.dma_semaphore, #tpu.memory_space<semaphore_mem>>
        %dma_start3A_390 = arith.constant 0 : i32
        %dma_start3A_391 = tpu.memref_slice %arg2[%add3A_384, %dma_start3A_390] : memref<4096x200xi32, #tpu.memory_space<hbm>> -> memref<1x200xi32, #tpu.memory_space<hbm>>
        %dma_start3A_392 = tpu.memref_squeeze %dma_start3A_391 : memref<1x200xi32, #tpu.memory_space<hbm>> -> memref<200xi32, #tpu.memory_space<hbm>>
        tpu.enqueue_dma source(%dma_start3A_392 : memref<200xi32, #tpu.memory_space<hbm>>) target(%arg12 : memref<200xi32, #tpu.memory_space<vmem>>) target_semaphore(%dma_start3A_389 : memref<!tpu.dma_semaphore, #tpu.memory_space<semaphore_mem>>)
        %dma_start3A_393 = arith.constant 4 : i32
        %dma_start3A_394 = arith.constant 4 : i32
        %dma_start3A_395 = arith.constant 0 : i32
        %dma_start3A_396 = arith.constant 0 : i32
        %dma_start3A_397 = tpu.memref_slice %arg7[%dma_start3A_393, %dma_start3A_395, %dma_start3A_396] : memref<7x200x64xf32, #tpu.memory_space<vmem>> -> memref<1x200x64xf32, #tpu.memory_space<vmem>>
        %dma_start3A_398 = tpu.memref_squeeze %dma_start3A_397 : memref<1x200x64xf32, #tpu.memory_space<vmem>> -> memref<200x64xf32, #tpu.memory_space<vmem>>
        %dma_start3A_399 = tpu.memref_slice %arg16[%dma_start3A_394] : memref<7x!tpu.dma_semaphore, #tpu.memory_space<semaphore_mem>> -> memref<1x!tpu.dma_semaphore, #tpu.memory_space<semaphore_mem>>
        %dma_start3A_400 = tpu.memref_squeeze %dma_start3A_399 : memref<1x!tpu.dma_semaphore, #tpu.memory_space<semaphore_mem>> -> memref<!tpu.dma_semaphore, #tpu.memory_space<semaphore_mem>>
        %dma_start3A_401 = arith.constant 0 : i32
        %dma_start3A_402 = arith.constant 0 : i32
        %dma_start3A_403 = tpu.memref_slice %arg7[%dma_start3A_393, %dma_start3A_401, %dma_start3A_402] : memref<7x200x64xf32, #tpu.memory_space<vmem>> -> memref<1x200x64xf32, #tpu.memory_space<vmem>>
        %dma_start3A_404 = tpu.memref_squeeze %dma_start3A_403 : memref<1x200x64xf32, #tpu.memory_space<vmem>> -> memref<200x64xf32, #tpu.memory_space<vmem>>
        tpu.enqueue_dma source(%arg6 : memref<200x64xf32, #tpu.memory_space<vmem_shared>>) target(%dma_start3A_404 : memref<200x64xf32, #tpu.memory_space<vmem>>) target_semaphore(%dma_start3A_400 : memref<!tpu.dma_semaphore, #tpu.memory_space<semaphore_mem>>)
      } else {
      }
      %sub3A_295 = arith.constant 1 : i32
      %sub3A_296 = arith.subi %add3A_289, %sub3A_295 : i32
      %ge3A_297 = arith.constant 0 : i32
      %ge3A_298 = arith.cmpi sge, %sub3A_296, %ge3A_297 : i32
      %lt3A_299 = arith.constant 128 : i32
      %lt3A_300 = arith.cmpi slt, %sub3A_296, %lt3A_299 : i32
      %and3A_301 = arith.andi %ge3A_298, %lt3A_300 : i1
      %convert_element_type3A_302 = arith.extui %and3A_301 : i1 to i32
      %cond3A_303 = arith.constant 0 : i32
      %cond3A_304 = arith.cmpi ne, %convert_element_type3A_302, %cond3A_303 : i32
      scf.if %cond3A_304 {
        %add3A_379 = arith.addi %mul3A_4, %sub3A_296 : i32
        %dma_wait3A_380 = arith.constant 3 : i32
        %dma_wait3A_381 = arith.constant 0 : i32
        %dma_wait3A_382 = tpu.memref_slice %arg2[%add3A_379, %dma_wait3A_381] : memref<4096x200xi32, #tpu.memory_space<hbm>> -> memref<1x200xi32, #tpu.memory_space<hbm>>
        %dma_wait3A_383 = tpu.memref_squeeze %dma_wait3A_382 : memref<1x200xi32, #tpu.memory_space<hbm>> -> memref<200xi32, #tpu.memory_space<hbm>>
        %dma_wait3A_384 = tpu.memref_slice %arg15[%dma_wait3A_380] : memref<7x!tpu.dma_semaphore, #tpu.memory_space<semaphore_mem>> -> memref<1x!tpu.dma_semaphore, #tpu.memory_space<semaphore_mem>>
        %dma_wait3A_385 = tpu.memref_squeeze %dma_wait3A_384 : memref<1x!tpu.dma_semaphore, #tpu.memory_space<semaphore_mem>> -> memref<!tpu.dma_semaphore, #tpu.memory_space<semaphore_mem>>
        %dma_wait3A_386 = arith.constant 0 : i32
        %dma_wait3A_387 = tpu.memref_slice %arg2[%add3A_379, %dma_wait3A_386] : memref<4096x200xi32, #tpu.memory_space<hbm>> -> memref<1x200xi32, #tpu.memory_space<hbm>>
        %dma_wait3A_388 = tpu.memref_squeeze %dma_wait3A_387 : memref<1x200xi32, #tpu.memory_space<hbm>> -> memref<200xi32, #tpu.memory_space<hbm>>
        tpu.wait_dma2 semaphore(%dma_wait3A_385 : memref<!tpu.dma_semaphore, #tpu.memory_space<semaphore_mem>>) src(%dma_wait3A_388 : memref<200xi32, #tpu.memory_space<hbm>>) dst(%arg11 : memref<200xi32, #tpu.memory_space<vmem>>)
        %dma_wait3A_389 = arith.constant 3 : i32
        %dma_wait3A_390 = arith.constant 3 : i32
        %dma_wait3A_391 = arith.constant 0 : i32
        %dma_wait3A_392 = arith.constant 0 : i32
        %dma_wait3A_393 = tpu.memref_slice %arg7[%dma_wait3A_389, %dma_wait3A_391, %dma_wait3A_392] : memref<7x200x64xf32, #tpu.memory_space<vmem>> -> memref<1x200x64xf32, #tpu.memory_space<vmem>>
        %dma_wait3A_394 = tpu.memref_squeeze %dma_wait3A_393 : memref<1x200x64xf32, #tpu.memory_space<vmem>> -> memref<200x64xf32, #tpu.memory_space<vmem>>
        %dma_wait3A_395 = tpu.memref_slice %arg16[%dma_wait3A_390] : memref<7x!tpu.dma_semaphore, #tpu.memory_space<semaphore_mem>> -> memref<1x!tpu.dma_semaphore, #tpu.memory_space<semaphore_mem>>
        %dma_wait3A_396 = tpu.memref_squeeze %dma_wait3A_395 : memref<1x!tpu.dma_semaphore, #tpu.memory_space<semaphore_mem>> -> memref<!tpu.dma_semaphore, #tpu.memory_space<semaphore_mem>>
        %dma_wait3A_397 = arith.constant 0 : i32
        %dma_wait3A_398 = arith.constant 0 : i32
        %dma_wait3A_399 = tpu.memref_slice %arg7[%dma_wait3A_389, %dma_wait3A_397, %dma_wait3A_398] : memref<7x200x64xf32, #tpu.memory_space<vmem>> -> memref<1x200x64xf32, #tpu.memory_space<vmem>>
        %dma_wait3A_400 = tpu.memref_squeeze %dma_wait3A_399 : memref<1x200x64xf32, #tpu.memory_space<vmem>> -> memref<200x64xf32, #tpu.memory_space<vmem>>
        tpu.wait_dma2 semaphore(%dma_wait3A_396 : memref<!tpu.dma_semaphore, #tpu.memory_space<semaphore_mem>>) src(%arg6 : memref<200x64xf32, #tpu.memory_space<vmem_shared>>) dst(%dma_wait3A_400 : memref<200x64xf32, #tpu.memory_space<vmem>>)
        %dma_start3A = arith.constant 3 : i32
        %dma_start3A_401 = arith.constant 3 : i32
        %dma_start3A_402 = arith.constant 0 : i32
        %dma_start3A_403 = arith.constant 0 : i32
        %dma_start3A_404 = tpu.memref_slice %arg7[%dma_start3A, %dma_start3A_402, %dma_start3A_403] : memref<7x200x64xf32, #tpu.memory_space<vmem>> -> memref<1x200x64xf32, #tpu.memory_space<vmem>>
        %dma_start3A_405 = tpu.memref_squeeze %dma_start3A_404 : memref<1x200x64xf32, #tpu.memory_space<vmem>> -> memref<200x64xf32, #tpu.memory_space<vmem>>
        %dma_start3A_406 = arith.constant 0 : i32
        %dma_start3A_407 = arith.constant 0 : i32
        %dma_start3A_408 = tpu.memref_slice %arg3[%dma_start3A_406, %dma_start3A_407] : memref<1000000x64xf32, #tpu.memory_space<hbm>> -> memref<1000000x64xf32, #tpu.memory_space<hbm>>
        %dma_start3A_409 = tpu.memref_slice %arg17[%dma_start3A_401] : memref<7x!tpu.dma_semaphore, #tpu.memory_space<semaphore_mem>> -> memref<1x!tpu.dma_semaphore, #tpu.memory_space<semaphore_mem>>
        %dma_start3A_410 = tpu.memref_squeeze %dma_start3A_409 : memref<1x!tpu.dma_semaphore, #tpu.memory_space<semaphore_mem>> -> memref<!tpu.dma_semaphore, #tpu.memory_space<semaphore_mem>>
        tpu.enqueue_indirect_dma source(%dma_start3A_408 : memref<1000000x64xf32, #tpu.memory_space<hbm>>) target(%dma_start3A_405 : memref<200x64xf32, #tpu.memory_space<vmem>>) offsets(%arg11 : memref<200xi32, #tpu.memory_space<vmem>>) semaphore(%dma_start3A_410 : memref<!tpu.dma_semaphore, #tpu.memory_space<semaphore_mem>>) {add = true}
      } else {
      }
      %sub3A_305 = arith.constant 1 : i32
      %sub3A_306 = arith.subi %add3A_289, %sub3A_305 : i32
      %sub3A_307 = arith.constant 4 : i32
      %sub3A_308 = arith.subi %sub3A_306, %sub3A_307 : i32
      %ge3A_309 = arith.constant 0 : i32
      %ge3A_310 = arith.cmpi sge, %sub3A_308, %ge3A_309 : i32
      %lt3A_311 = arith.constant 128 : i32
      %lt3A_312 = arith.cmpi slt, %sub3A_308, %lt3A_311 : i32
      %and3A_313 = arith.andi %ge3A_310, %lt3A_312 : i1
      %convert_element_type3A_314 = arith.extui %and3A_313 : i1 to i32
      %cond3A_315 = arith.constant 0 : i32
      %cond3A_316 = arith.cmpi ne, %convert_element_type3A_314, %cond3A_315 : i32
      scf.if %cond3A_316 {
        %dma_wait3A_379 = arith.constant 6 : i32
        %dma_wait3A_380 = arith.constant 6 : i32
        %dma_wait3A_381 = arith.constant 0 : i32
        %dma_wait3A_382 = arith.constant 0 : i32
        %dma_wait3A_383 = tpu.memref_slice %arg7[%dma_wait3A_379, %dma_wait3A_381, %dma_wait3A_382] : memref<7x200x64xf32, #tpu.memory_space<vmem>> -> memref<1x200x64xf32, #tpu.memory_space<vmem>>
        %dma_wait3A_384 = tpu.memref_squeeze %dma_wait3A_383 : memref<1x200x64xf32, #tpu.memory_space<vmem>> -> memref<200x64xf32, #tpu.memory_space<vmem>>
        %dma_wait3A_385 = arith.constant 0 : i32
        %dma_wait3A_386 = arith.constant 0 : i32
        %dma_wait3A_387 = tpu.memref_slice %arg3[%dma_wait3A_385, %dma_wait3A_386] : memref<1000000x64xf32, #tpu.memory_space<hbm>> -> memref<1000000x64xf32, #tpu.memory_space<hbm>>
        %dma_wait3A_388 = tpu.memref_slice %arg17[%dma_wait3A_380] : memref<7x!tpu.dma_semaphore, #tpu.memory_space<semaphore_mem>> -> memref<1x!tpu.dma_semaphore, #tpu.memory_space<semaphore_mem>>
        %dma_wait3A_389 = tpu.memref_squeeze %dma_wait3A_388 : memref<1x!tpu.dma_semaphore, #tpu.memory_space<semaphore_mem>> -> memref<!tpu.dma_semaphore, #tpu.memory_space<semaphore_mem>>
        tpu.wait_indirect_dma semaphore(%dma_wait3A_389 : memref<!tpu.dma_semaphore, #tpu.memory_space<semaphore_mem>>) src(%dma_wait3A_387 : memref<1000000x64xf32, #tpu.memory_space<hbm>>) dst(%dma_wait3A_384 : memref<200x64xf32, #tpu.memory_space<vmem>>)
        %add3A_390 = arith.addi %mul3A_4, %sub3A_308 : i32
        %dma_start3A = arith.constant 6 : i32
        %dma_start3A_391 = arith.constant 6 : i32
        %dma_start3A_392 = arith.constant 0 : i32
        %dma_start3A_393 = arith.constant 0 : i32
        %dma_start3A_394 = tpu.memref_slice %arg7[%dma_start3A, %dma_start3A_392, %dma_start3A_393] : memref<7x200x64xf32, #tpu.memory_space<vmem>> -> memref<1x200x64xf32, #tpu.memory_space<vmem>>
        %dma_start3A_395 = tpu.memref_squeeze %dma_start3A_394 : memref<1x200x64xf32, #tpu.memory_space<vmem>> -> memref<200x64xf32, #tpu.memory_space<vmem>>
        %dma_start3A_396 = arith.constant 0 : i32
        %dma_start3A_397 = arith.constant 0 : i32
        %dma_start3A_398 = tpu.memref_slice %arg5[%add3A_390, %dma_start3A_396, %dma_start3A_397] : memref<4096x200x128xf32, #tpu.memory_space<hbm>> -> memref<1x200x64xf32, #tpu.memory_space<hbm>>
        %dma_start3A_399 = tpu.memref_squeeze %dma_start3A_398 : memref<1x200x64xf32, #tpu.memory_space<hbm>> -> memref<200x64xf32, #tpu.memory_space<hbm>>
        %dma_start3A_400 = tpu.memref_slice %arg18[%dma_start3A_391] : memref<7x!tpu.dma_semaphore, #tpu.memory_space<semaphore_mem>> -> memref<1x!tpu.dma_semaphore, #tpu.memory_space<semaphore_mem>>
        %dma_start3A_401 = tpu.memref_squeeze %dma_start3A_400 : memref<1x!tpu.dma_semaphore, #tpu.memory_space<semaphore_mem>> -> memref<!tpu.dma_semaphore, #tpu.memory_space<semaphore_mem>>
        %dma_start3A_402 = arith.constant 0 : i32
        %dma_start3A_403 = arith.constant 0 : i32
        %dma_start3A_404 = tpu.memref_slice %arg5[%add3A_390, %dma_start3A_402, %dma_start3A_403] : memref<4096x200x128xf32, #tpu.memory_space<hbm>> -> memref<1x200x64xf32, #tpu.memory_space<hbm>>
        %dma_start3A_405 = tpu.memref_squeeze %dma_start3A_404 : memref<1x200x64xf32, #tpu.memory_space<hbm>> -> memref<200x64xf32, #tpu.memory_space<hbm>>
        %dma_start3A_406 = arith.constant 0 : i32
        %dma_start3A_407 = arith.constant 0 : i32
        %dma_start3A_408 = tpu.memref_slice %arg7[%dma_start3A, %dma_start3A_406, %dma_start3A_407] : memref<7x200x64xf32, #tpu.memory_space<vmem>> -> memref<1x200x64xf32, #tpu.memory_space<vmem>>
        %dma_start3A_409 = tpu.memref_squeeze %dma_start3A_408 : memref<1x200x64xf32, #tpu.memory_space<vmem>> -> memref<200x64xf32, #tpu.memory_space<vmem>>
        tpu.enqueue_dma source(%dma_start3A_409 : memref<200x64xf32, #tpu.memory_space<vmem>>) target(%dma_start3A_405 : memref<200x64xf32, #tpu.memory_space<hbm>>) target_semaphore(%dma_start3A_401 : memref<!tpu.dma_semaphore, #tpu.memory_space<semaphore_mem>>)
      } else {
      }
      %mul3A_317 = arith.constant 7 : i32
      %mul3A_318 = arith.muli %scan3A_165, %mul3A_317 : i32
      %add3A_319 = arith.constant 5 : i32
      %add3A_320 = arith.addi %mul3A_318, %add3A_319 : i32
      %lt3A_321 = arith.constant 128 : i32
      %lt3A_322 = arith.cmpi slt, %add3A_320, %lt3A_321 : i32
      %convert_element_type3A_323 = arith.extui %lt3A_322 : i1 to i32
      %cond3A_324 = arith.constant 0 : i32
      %cond3A_325 = arith.cmpi ne, %convert_element_type3A_323, %cond3A_324 : i32
      scf.if %cond3A_325 {
        %ge3A_379 = arith.constant 7 : i32
        %ge3A_380 = arith.cmpi sge, %add3A_320, %ge3A_379 : i32
        %convert_element_type3A_381 = arith.extui %ge3A_380 : i1 to i32
        %cond3A_382 = arith.constant 0 : i32
        %cond3A_383 = arith.cmpi ne, %convert_element_type3A_381, %cond3A_382 : i32
        scf.if %cond3A_383 {
          %sub3A_405 = arith.constant 7 : i32
          %sub3A_406 = arith.subi %add3A_320, %sub3A_405 : i32
          %add3A_407 = arith.addi %mul3A_4, %sub3A_406 : i32
          %dma_wait3A_408 = arith.constant 5 : i32
          %dma_wait3A_409 = arith.constant 5 : i32
          %dma_wait3A_410 = arith.constant 0 : i32
          %dma_wait3A_411 = arith.constant 0 : i32
          %dma_wait3A_412 = tpu.memref_slice %arg7[%dma_wait3A_408, %dma_wait3A_410, %dma_wait3A_411] : memref<7x200x64xf32, #tpu.memory_space<vmem>> -> memref<1x200x64xf32, #tpu.memory_space<vmem>>
          %dma_wait3A_413 = tpu.memref_squeeze %dma_wait3A_412 : memref<1x200x64xf32, #tpu.memory_space<vmem>> -> memref<200x64xf32, #tpu.memory_space<vmem>>
          %dma_wait3A_414 = arith.constant 0 : i32
          %dma_wait3A_415 = arith.constant 0 : i32
          %dma_wait3A_416 = tpu.memref_slice %arg5[%add3A_407, %dma_wait3A_414, %dma_wait3A_415] : memref<4096x200x128xf32, #tpu.memory_space<hbm>> -> memref<1x200x64xf32, #tpu.memory_space<hbm>>
          %dma_wait3A_417 = tpu.memref_squeeze %dma_wait3A_416 : memref<1x200x64xf32, #tpu.memory_space<hbm>> -> memref<200x64xf32, #tpu.memory_space<hbm>>
          %dma_wait3A_418 = tpu.memref_slice %arg18[%dma_wait3A_409] : memref<7x!tpu.dma_semaphore, #tpu.memory_space<semaphore_mem>> -> memref<1x!tpu.dma_semaphore, #tpu.memory_space<semaphore_mem>>
          %dma_wait3A_419 = tpu.memref_squeeze %dma_wait3A_418 : memref<1x!tpu.dma_semaphore, #tpu.memory_space<semaphore_mem>> -> memref<!tpu.dma_semaphore, #tpu.memory_space<semaphore_mem>>
          %dma_wait3A_420 = arith.constant 0 : i32
          %dma_wait3A_421 = arith.constant 0 : i32
          %dma_wait3A_422 = tpu.memref_slice %arg5[%add3A_407, %dma_wait3A_420, %dma_wait3A_421] : memref<4096x200x128xf32, #tpu.memory_space<hbm>> -> memref<1x200x64xf32, #tpu.memory_space<hbm>>
          %dma_wait3A_423 = tpu.memref_squeeze %dma_wait3A_422 : memref<1x200x64xf32, #tpu.memory_space<hbm>> -> memref<200x64xf32, #tpu.memory_space<hbm>>
          %dma_wait3A_424 = arith.constant 0 : i32
          %dma_wait3A_425 = arith.constant 0 : i32
          %dma_wait3A_426 = tpu.memref_slice %arg7[%dma_wait3A_408, %dma_wait3A_424, %dma_wait3A_425] : memref<7x200x64xf32, #tpu.memory_space<vmem>> -> memref<1x200x64xf32, #tpu.memory_space<vmem>>
          %dma_wait3A_427 = tpu.memref_squeeze %dma_wait3A_426 : memref<1x200x64xf32, #tpu.memory_space<vmem>> -> memref<200x64xf32, #tpu.memory_space<vmem>>
          tpu.wait_dma2 semaphore(%dma_wait3A_419 : memref<!tpu.dma_semaphore, #tpu.memory_space<semaphore_mem>>) src(%dma_wait3A_427 : memref<200x64xf32, #tpu.memory_space<vmem>>) dst(%dma_wait3A_423 : memref<200x64xf32, #tpu.memory_space<hbm>>)
        } else {
        }
        %add3A_384 = arith.addi %mul3A_4, %add3A_320 : i32
        %dma_start3A = arith.constant 5 : i32
        %dma_start3A_385 = arith.constant 0 : i32
        %dma_start3A_386 = tpu.memref_slice %arg2[%add3A_384, %dma_start3A_385] : memref<4096x200xi32, #tpu.memory_space<hbm>> -> memref<1x200xi32, #tpu.memory_space<hbm>>
        %dma_start3A_387 = tpu.memref_squeeze %dma_start3A_386 : memref<1x200xi32, #tpu.memory_space<hbm>> -> memref<200xi32, #tpu.memory_space<hbm>>
        %dma_start3A_388 = tpu.memref_slice %arg15[%dma_start3A] : memref<7x!tpu.dma_semaphore, #tpu.memory_space<semaphore_mem>> -> memref<1x!tpu.dma_semaphore, #tpu.memory_space<semaphore_mem>>
        %dma_start3A_389 = tpu.memref_squeeze %dma_start3A_388 : memref<1x!tpu.dma_semaphore, #tpu.memory_space<semaphore_mem>> -> memref<!tpu.dma_semaphore, #tpu.memory_space<semaphore_mem>>
        %dma_start3A_390 = arith.constant 0 : i32
        %dma_start3A_391 = tpu.memref_slice %arg2[%add3A_384, %dma_start3A_390] : memref<4096x200xi32, #tpu.memory_space<hbm>> -> memref<1x200xi32, #tpu.memory_space<hbm>>
        %dma_start3A_392 = tpu.memref_squeeze %dma_start3A_391 : memref<1x200xi32, #tpu.memory_space<hbm>> -> memref<200xi32, #tpu.memory_space<hbm>>
        tpu.enqueue_dma source(%dma_start3A_392 : memref<200xi32, #tpu.memory_space<hbm>>) target(%arg13 : memref<200xi32, #tpu.memory_space<vmem>>) target_semaphore(%dma_start3A_389 : memref<!tpu.dma_semaphore, #tpu.memory_space<semaphore_mem>>)
        %dma_start3A_393 = arith.constant 5 : i32
        %dma_start3A_394 = arith.constant 5 : i32
        %dma_start3A_395 = arith.constant 0 : i32
        %dma_start3A_396 = arith.constant 0 : i32
        %dma_start3A_397 = tpu.memref_slice %arg7[%dma_start3A_393, %dma_start3A_395, %dma_start3A_396] : memref<7x200x64xf32, #tpu.memory_space<vmem>> -> memref<1x200x64xf32, #tpu.memory_space<vmem>>
        %dma_start3A_398 = tpu.memref_squeeze %dma_start3A_397 : memref<1x200x64xf32, #tpu.memory_space<vmem>> -> memref<200x64xf32, #tpu.memory_space<vmem>>
        %dma_start3A_399 = tpu.memref_slice %arg16[%dma_start3A_394] : memref<7x!tpu.dma_semaphore, #tpu.memory_space<semaphore_mem>> -> memref<1x!tpu.dma_semaphore, #tpu.memory_space<semaphore_mem>>
        %dma_start3A_400 = tpu.memref_squeeze %dma_start3A_399 : memref<1x!tpu.dma_semaphore, #tpu.memory_space<semaphore_mem>> -> memref<!tpu.dma_semaphore, #tpu.memory_space<semaphore_mem>>
        %dma_start3A_401 = arith.constant 0 : i32
        %dma_start3A_402 = arith.constant 0 : i32
        %dma_start3A_403 = tpu.memref_slice %arg7[%dma_start3A_393, %dma_start3A_401, %dma_start3A_402] : memref<7x200x64xf32, #tpu.memory_space<vmem>> -> memref<1x200x64xf32, #tpu.memory_space<vmem>>
        %dma_start3A_404 = tpu.memref_squeeze %dma_start3A_403 : memref<1x200x64xf32, #tpu.memory_space<vmem>> -> memref<200x64xf32, #tpu.memory_space<vmem>>
        tpu.enqueue_dma source(%arg6 : memref<200x64xf32, #tpu.memory_space<vmem_shared>>) target(%dma_start3A_404 : memref<200x64xf32, #tpu.memory_space<vmem>>) target_semaphore(%dma_start3A_400 : memref<!tpu.dma_semaphore, #tpu.memory_space<semaphore_mem>>)
      } else {
      }
      %sub3A_326 = arith.constant 1 : i32
      %sub3A_327 = arith.subi %add3A_320, %sub3A_326 : i32
      %ge3A_328 = arith.constant 0 : i32
      %ge3A_329 = arith.cmpi sge, %sub3A_327, %ge3A_328 : i32
      %lt3A_330 = arith.constant 128 : i32
      %lt3A_331 = arith.cmpi slt, %sub3A_327, %lt3A_330 : i32
      %and3A_332 = arith.andi %ge3A_329, %lt3A_331 : i1
      %convert_element_type3A_333 = arith.extui %and3A_332 : i1 to i32
      %cond3A_334 = arith.constant 0 : i32
      %cond3A_335 = arith.cmpi ne, %convert_element_type3A_333, %cond3A_334 : i32
      scf.if %cond3A_335 {
        %add3A_379 = arith.addi %mul3A_4, %sub3A_327 : i32
        %dma_wait3A_380 = arith.constant 4 : i32
        %dma_wait3A_381 = arith.constant 0 : i32
        %dma_wait3A_382 = tpu.memref_slice %arg2[%add3A_379, %dma_wait3A_381] : memref<4096x200xi32, #tpu.memory_space<hbm>> -> memref<1x200xi32, #tpu.memory_space<hbm>>
        %dma_wait3A_383 = tpu.memref_squeeze %dma_wait3A_382 : memref<1x200xi32, #tpu.memory_space<hbm>> -> memref<200xi32, #tpu.memory_space<hbm>>
        %dma_wait3A_384 = tpu.memref_slice %arg15[%dma_wait3A_380] : memref<7x!tpu.dma_semaphore, #tpu.memory_space<semaphore_mem>> -> memref<1x!tpu.dma_semaphore, #tpu.memory_space<semaphore_mem>>
        %dma_wait3A_385 = tpu.memref_squeeze %dma_wait3A_384 : memref<1x!tpu.dma_semaphore, #tpu.memory_space<semaphore_mem>> -> memref<!tpu.dma_semaphore, #tpu.memory_space<semaphore_mem>>
        %dma_wait3A_386 = arith.constant 0 : i32
        %dma_wait3A_387 = tpu.memref_slice %arg2[%add3A_379, %dma_wait3A_386] : memref<4096x200xi32, #tpu.memory_space<hbm>> -> memref<1x200xi32, #tpu.memory_space<hbm>>
        %dma_wait3A_388 = tpu.memref_squeeze %dma_wait3A_387 : memref<1x200xi32, #tpu.memory_space<hbm>> -> memref<200xi32, #tpu.memory_space<hbm>>
        tpu.wait_dma2 semaphore(%dma_wait3A_385 : memref<!tpu.dma_semaphore, #tpu.memory_space<semaphore_mem>>) src(%dma_wait3A_388 : memref<200xi32, #tpu.memory_space<hbm>>) dst(%arg12 : memref<200xi32, #tpu.memory_space<vmem>>)
        %dma_wait3A_389 = arith.constant 4 : i32
        %dma_wait3A_390 = arith.constant 4 : i32
        %dma_wait3A_391 = arith.constant 0 : i32
        %dma_wait3A_392 = arith.constant 0 : i32
        %dma_wait3A_393 = tpu.memref_slice %arg7[%dma_wait3A_389, %dma_wait3A_391, %dma_wait3A_392] : memref<7x200x64xf32, #tpu.memory_space<vmem>> -> memref<1x200x64xf32, #tpu.memory_space<vmem>>
        %dma_wait3A_394 = tpu.memref_squeeze %dma_wait3A_393 : memref<1x200x64xf32, #tpu.memory_space<vmem>> -> memref<200x64xf32, #tpu.memory_space<vmem>>
        %dma_wait3A_395 = tpu.memref_slice %arg16[%dma_wait3A_390] : memref<7x!tpu.dma_semaphore, #tpu.memory_space<semaphore_mem>> -> memref<1x!tpu.dma_semaphore, #tpu.memory_space<semaphore_mem>>
        %dma_wait3A_396 = tpu.memref_squeeze %dma_wait3A_395 : memref<1x!tpu.dma_semaphore, #tpu.memory_space<semaphore_mem>> -> memref<!tpu.dma_semaphore, #tpu.memory_space<semaphore_mem>>
        %dma_wait3A_397 = arith.constant 0 : i32
        %dma_wait3A_398 = arith.constant 0 : i32
        %dma_wait3A_399 = tpu.memref_slice %arg7[%dma_wait3A_389, %dma_wait3A_397, %dma_wait3A_398] : memref<7x200x64xf32, #tpu.memory_space<vmem>> -> memref<1x200x64xf32, #tpu.memory_space<vmem>>
        %dma_wait3A_400 = tpu.memref_squeeze %dma_wait3A_399 : memref<1x200x64xf32, #tpu.memory_space<vmem>> -> memref<200x64xf32, #tpu.memory_space<vmem>>
        tpu.wait_dma2 semaphore(%dma_wait3A_396 : memref<!tpu.dma_semaphore, #tpu.memory_space<semaphore_mem>>) src(%arg6 : memref<200x64xf32, #tpu.memory_space<vmem_shared>>) dst(%dma_wait3A_400 : memref<200x64xf32, #tpu.memory_space<vmem>>)
        %dma_start3A = arith.constant 4 : i32
        %dma_start3A_401 = arith.constant 4 : i32
        %dma_start3A_402 = arith.constant 0 : i32
        %dma_start3A_403 = arith.constant 0 : i32
        %dma_start3A_404 = tpu.memref_slice %arg7[%dma_start3A, %dma_start3A_402, %dma_start3A_403] : memref<7x200x64xf32, #tpu.memory_space<vmem>> -> memref<1x200x64xf32, #tpu.memory_space<vmem>>
        %dma_start3A_405 = tpu.memref_squeeze %dma_start3A_404 : memref<1x200x64xf32, #tpu.memory_space<vmem>> -> memref<200x64xf32, #tpu.memory_space<vmem>>
        %dma_start3A_406 = arith.constant 0 : i32
        %dma_start3A_407 = arith.constant 0 : i32
        %dma_start3A_408 = tpu.memref_slice %arg3[%dma_start3A_406, %dma_start3A_407] : memref<1000000x64xf32, #tpu.memory_space<hbm>> -> memref<1000000x64xf32, #tpu.memory_space<hbm>>
        %dma_start3A_409 = tpu.memref_slice %arg17[%dma_start3A_401] : memref<7x!tpu.dma_semaphore, #tpu.memory_space<semaphore_mem>> -> memref<1x!tpu.dma_semaphore, #tpu.memory_space<semaphore_mem>>
        %dma_start3A_410 = tpu.memref_squeeze %dma_start3A_409 : memref<1x!tpu.dma_semaphore, #tpu.memory_space<semaphore_mem>> -> memref<!tpu.dma_semaphore, #tpu.memory_space<semaphore_mem>>
        tpu.enqueue_indirect_dma source(%dma_start3A_408 : memref<1000000x64xf32, #tpu.memory_space<hbm>>) target(%dma_start3A_405 : memref<200x64xf32, #tpu.memory_space<vmem>>) offsets(%arg12 : memref<200xi32, #tpu.memory_space<vmem>>) semaphore(%dma_start3A_410 : memref<!tpu.dma_semaphore, #tpu.memory_space<semaphore_mem>>) {add = true}
      } else {
      }
      %sub3A_336 = arith.constant 1 : i32
      %sub3A_337 = arith.subi %add3A_320, %sub3A_336 : i32
      %sub3A_338 = arith.constant 4 : i32
      %sub3A_339 = arith.subi %sub3A_337, %sub3A_338 : i32
      %ge3A_340 = arith.constant 0 : i32
      %ge3A_341 = arith.cmpi sge, %sub3A_339, %ge3A_340 : i32
      %lt3A_342 = arith.constant 128 : i32
      %lt3A_343 = arith.cmpi slt, %sub3A_339, %lt3A_342 : i32
      %and3A_344 = arith.andi %ge3A_341, %lt3A_343 : i1
      %convert_element_type3A_345 = arith.extui %and3A_344 : i1 to i32
      %cond3A_346 = arith.constant 0 : i32
      %cond3A_347 = arith.cmpi ne, %convert_element_type3A_345, %cond3A_346 : i32
      scf.if %cond3A_347 {
        %dma_wait3A_379 = arith.constant 0 : i32
        %dma_wait3A_380 = arith.constant 0 : i32
        %dma_wait3A_381 = arith.constant 0 : i32
        %dma_wait3A_382 = arith.constant 0 : i32
        %dma_wait3A_383 = tpu.memref_slice %arg7[%dma_wait3A_379, %dma_wait3A_381, %dma_wait3A_382] : memref<7x200x64xf32, #tpu.memory_space<vmem>> -> memref<1x200x64xf32, #tpu.memory_space<vmem>>
        %dma_wait3A_384 = tpu.memref_squeeze %dma_wait3A_383 : memref<1x200x64xf32, #tpu.memory_space<vmem>> -> memref<200x64xf32, #tpu.memory_space<vmem>>
        %dma_wait3A_385 = arith.constant 0 : i32
        %dma_wait3A_386 = arith.constant 0 : i32
        %dma_wait3A_387 = tpu.memref_slice %arg3[%dma_wait3A_385, %dma_wait3A_386] : memref<1000000x64xf32, #tpu.memory_space<hbm>> -> memref<1000000x64xf32, #tpu.memory_space<hbm>>
        %dma_wait3A_388 = tpu.memref_slice %arg17[%dma_wait3A_380] : memref<7x!tpu.dma_semaphore, #tpu.memory_space<semaphore_mem>> -> memref<1x!tpu.dma_semaphore, #tpu.memory_space<semaphore_mem>>
        %dma_wait3A_389 = tpu.memref_squeeze %dma_wait3A_388 : memref<1x!tpu.dma_semaphore, #tpu.memory_space<semaphore_mem>> -> memref<!tpu.dma_semaphore, #tpu.memory_space<semaphore_mem>>
        tpu.wait_indirect_dma semaphore(%dma_wait3A_389 : memref<!tpu.dma_semaphore, #tpu.memory_space<semaphore_mem>>) src(%dma_wait3A_387 : memref<1000000x64xf32, #tpu.memory_space<hbm>>) dst(%dma_wait3A_384 : memref<200x64xf32, #tpu.memory_space<vmem>>)
        %add3A_390 = arith.addi %mul3A_4, %sub3A_339 : i32
        %dma_start3A = arith.constant 0 : i32
        %dma_start3A_391 = arith.constant 0 : i32
        %dma_start3A_392 = arith.constant 0 : i32
        %dma_start3A_393 = arith.constant 0 : i32
        %dma_start3A_394 = tpu.memref_slice %arg7[%dma_start3A, %dma_start3A_392, %dma_start3A_393] : memref<7x200x64xf32, #tpu.memory_space<vmem>> -> memref<1x200x64xf32, #tpu.memory_space<vmem>>
        %dma_start3A_395 = tpu.memref_squeeze %dma_start3A_394 : memref<1x200x64xf32, #tpu.memory_space<vmem>> -> memref<200x64xf32, #tpu.memory_space<vmem>>
        %dma_start3A_396 = arith.constant 0 : i32
        %dma_start3A_397 = arith.constant 0 : i32
        %dma_start3A_398 = tpu.memref_slice %arg5[%add3A_390, %dma_start3A_396, %dma_start3A_397] : memref<4096x200x128xf32, #tpu.memory_space<hbm>> -> memref<1x200x64xf32, #tpu.memory_space<hbm>>
        %dma_start3A_399 = tpu.memref_squeeze %dma_start3A_398 : memref<1x200x64xf32, #tpu.memory_space<hbm>> -> memref<200x64xf32, #tpu.memory_space<hbm>>
        %dma_start3A_400 = tpu.memref_slice %arg18[%dma_start3A_391] : memref<7x!tpu.dma_semaphore, #tpu.memory_space<semaphore_mem>> -> memref<1x!tpu.dma_semaphore, #tpu.memory_space<semaphore_mem>>
        %dma_start3A_401 = tpu.memref_squeeze %dma_start3A_400 : memref<1x!tpu.dma_semaphore, #tpu.memory_space<semaphore_mem>> -> memref<!tpu.dma_semaphore, #tpu.memory_space<semaphore_mem>>
        %dma_start3A_402 = arith.constant 0 : i32
        %dma_start3A_403 = arith.constant 0 : i32
        %dma_start3A_404 = tpu.memref_slice %arg5[%add3A_390, %dma_start3A_402, %dma_start3A_403] : memref<4096x200x128xf32, #tpu.memory_space<hbm>> -> memref<1x200x64xf32, #tpu.memory_space<hbm>>
        %dma_start3A_405 = tpu.memref_squeeze %dma_start3A_404 : memref<1x200x64xf32, #tpu.memory_space<hbm>> -> memref<200x64xf32, #tpu.memory_space<hbm>>
        %dma_start3A_406 = arith.constant 0 : i32
        %dma_start3A_407 = arith.constant 0 : i32
        %dma_start3A_408 = tpu.memref_slice %arg7[%dma_start3A, %dma_start3A_406, %dma_start3A_407] : memref<7x200x64xf32, #tpu.memory_space<vmem>> -> memref<1x200x64xf32, #tpu.memory_space<vmem>>
        %dma_start3A_409 = tpu.memref_squeeze %dma_start3A_408 : memref<1x200x64xf32, #tpu.memory_space<vmem>> -> memref<200x64xf32, #tpu.memory_space<vmem>>
        tpu.enqueue_dma source(%dma_start3A_409 : memref<200x64xf32, #tpu.memory_space<vmem>>) target(%dma_start3A_405 : memref<200x64xf32, #tpu.memory_space<hbm>>) target_semaphore(%dma_start3A_401 : memref<!tpu.dma_semaphore, #tpu.memory_space<semaphore_mem>>)
      } else {
      }
      %mul3A_348 = arith.constant 7 : i32
      %mul3A_349 = arith.muli %scan3A_165, %mul3A_348 : i32
      %add3A_350 = arith.constant 6 : i32
      %add3A_351 = arith.addi %mul3A_349, %add3A_350 : i32
      %lt3A_352 = arith.constant 128 : i32
      %lt3A_353 = arith.cmpi slt, %add3A_351, %lt3A_352 : i32
      %convert_element_type3A_354 = arith.extui %lt3A_353 : i1 to i32
      %cond3A_355 = arith.constant 0 : i32
      %cond3A_356 = arith.cmpi ne, %convert_element_type3A_354, %cond3A_355 : i32
      scf.if %cond3A_356 {
        %ge3A_379 = arith.constant 7 : i32
        %ge3A_380 = arith.cmpi sge, %add3A_351, %ge3A_379 : i32
        %convert_element_type3A_381 = arith.extui %ge3A_380 : i1 to i32
        %cond3A_382 = arith.constant 0 : i32
        %cond3A_383 = arith.cmpi ne, %convert_element_type3A_381, %cond3A_382 : i32
        scf.if %cond3A_383 {
          %sub3A_405 = arith.constant 7 : i32
          %sub3A_406 = arith.subi %add3A_351, %sub3A_405 : i32
          %add3A_407 = arith.addi %mul3A_4, %sub3A_406 : i32
          %dma_wait3A_408 = arith.constant 6 : i32
          %dma_wait3A_409 = arith.constant 6 : i32
          %dma_wait3A_410 = arith.constant 0 : i32
          %dma_wait3A_411 = arith.constant 0 : i32
          %dma_wait3A_412 = tpu.memref_slice %arg7[%dma_wait3A_408, %dma_wait3A_410, %dma_wait3A_411] : memref<7x200x64xf32, #tpu.memory_space<vmem>> -> memref<1x200x64xf32, #tpu.memory_space<vmem>>
          %dma_wait3A_413 = tpu.memref_squeeze %dma_wait3A_412 : memref<1x200x64xf32, #tpu.memory_space<vmem>> -> memref<200x64xf32, #tpu.memory_space<vmem>>
          %dma_wait3A_414 = arith.constant 0 : i32
          %dma_wait3A_415 = arith.constant 0 : i32
          %dma_wait3A_416 = tpu.memref_slice %arg5[%add3A_407, %dma_wait3A_414, %dma_wait3A_415] : memref<4096x200x128xf32, #tpu.memory_space<hbm>> -> memref<1x200x64xf32, #tpu.memory_space<hbm>>
          %dma_wait3A_417 = tpu.memref_squeeze %dma_wait3A_416 : memref<1x200x64xf32, #tpu.memory_space<hbm>> -> memref<200x64xf32, #tpu.memory_space<hbm>>
          %dma_wait3A_418 = tpu.memref_slice %arg18[%dma_wait3A_409] : memref<7x!tpu.dma_semaphore, #tpu.memory_space<semaphore_mem>> -> memref<1x!tpu.dma_semaphore, #tpu.memory_space<semaphore_mem>>
          %dma_wait3A_419 = tpu.memref_squeeze %dma_wait3A_418 : memref<1x!tpu.dma_semaphore, #tpu.memory_space<semaphore_mem>> -> memref<!tpu.dma_semaphore, #tpu.memory_space<semaphore_mem>>
          %dma_wait3A_420 = arith.constant 0 : i32
          %dma_wait3A_421 = arith.constant 0 : i32
          %dma_wait3A_422 = tpu.memref_slice %arg5[%add3A_407, %dma_wait3A_420, %dma_wait3A_421] : memref<4096x200x128xf32, #tpu.memory_space<hbm>> -> memref<1x200x64xf32, #tpu.memory_space<hbm>>
          %dma_wait3A_423 = tpu.memref_squeeze %dma_wait3A_422 : memref<1x200x64xf32, #tpu.memory_space<hbm>> -> memref<200x64xf32, #tpu.memory_space<hbm>>
          %dma_wait3A_424 = arith.constant 0 : i32
          %dma_wait3A_425 = arith.constant 0 : i32
          %dma_wait3A_426 = tpu.memref_slice %arg7[%dma_wait3A_408, %dma_wait3A_424, %dma_wait3A_425] : memref<7x200x64xf32, #tpu.memory_space<vmem>> -> memref<1x200x64xf32, #tpu.memory_space<vmem>>
          %dma_wait3A_427 = tpu.memref_squeeze %dma_wait3A_426 : memref<1x200x64xf32, #tpu.memory_space<vmem>> -> memref<200x64xf32, #tpu.memory_space<vmem>>
          tpu.wait_dma2 semaphore(%dma_wait3A_419 : memref<!tpu.dma_semaphore, #tpu.memory_space<semaphore_mem>>) src(%dma_wait3A_427 : memref<200x64xf32, #tpu.memory_space<vmem>>) dst(%dma_wait3A_423 : memref<200x64xf32, #tpu.memory_space<hbm>>)
        } else {
        }
        %add3A_384 = arith.addi %mul3A_4, %add3A_351 : i32
        %dma_start3A = arith.constant 6 : i32
        %dma_start3A_385 = arith.constant 0 : i32
        %dma_start3A_386 = tpu.memref_slice %arg2[%add3A_384, %dma_start3A_385] : memref<4096x200xi32, #tpu.memory_space<hbm>> -> memref<1x200xi32, #tpu.memory_space<hbm>>
        %dma_start3A_387 = tpu.memref_squeeze %dma_start3A_386 : memref<1x200xi32, #tpu.memory_space<hbm>> -> memref<200xi32, #tpu.memory_space<hbm>>
        %dma_start3A_388 = tpu.memref_slice %arg15[%dma_start3A] : memref<7x!tpu.dma_semaphore, #tpu.memory_space<semaphore_mem>> -> memref<1x!tpu.dma_semaphore, #tpu.memory_space<semaphore_mem>>
        %dma_start3A_389 = tpu.memref_squeeze %dma_start3A_388 : memref<1x!tpu.dma_semaphore, #tpu.memory_space<semaphore_mem>> -> memref<!tpu.dma_semaphore, #tpu.memory_space<semaphore_mem>>
        %dma_start3A_390 = arith.constant 0 : i32
        %dma_start3A_391 = tpu.memref_slice %arg2[%add3A_384, %dma_start3A_390] : memref<4096x200xi32, #tpu.memory_space<hbm>> -> memref<1x200xi32, #tpu.memory_space<hbm>>
        %dma_start3A_392 = tpu.memref_squeeze %dma_start3A_391 : memref<1x200xi32, #tpu.memory_space<hbm>> -> memref<200xi32, #tpu.memory_space<hbm>>
        tpu.enqueue_dma source(%dma_start3A_392 : memref<200xi32, #tpu.memory_space<hbm>>) target(%arg14 : memref<200xi32, #tpu.memory_space<vmem>>) target_semaphore(%dma_start3A_389 : memref<!tpu.dma_semaphore, #tpu.memory_space<semaphore_mem>>)
        %dma_start3A_393 = arith.constant 6 : i32
        %dma_start3A_394 = arith.constant 6 : i32
        %dma_start3A_395 = arith.constant 0 : i32
        %dma_start3A_396 = arith.constant 0 : i32
        %dma_start3A_397 = tpu.memref_slice %arg7[%dma_start3A_393, %dma_start3A_395, %dma_start3A_396] : memref<7x200x64xf32, #tpu.memory_space<vmem>> -> memref<1x200x64xf32, #tpu.memory_space<vmem>>
        %dma_start3A_398 = tpu.memref_squeeze %dma_start3A_397 : memref<1x200x64xf32, #tpu.memory_space<vmem>> -> memref<200x64xf32, #tpu.memory_space<vmem>>
        %dma_start3A_399 = tpu.memref_slice %arg16[%dma_start3A_394] : memref<7x!tpu.dma_semaphore, #tpu.memory_space<semaphore_mem>> -> memref<1x!tpu.dma_semaphore, #tpu.memory_space<semaphore_mem>>
        %dma_start3A_400 = tpu.memref_squeeze %dma_start3A_399 : memref<1x!tpu.dma_semaphore, #tpu.memory_space<semaphore_mem>> -> memref<!tpu.dma_semaphore, #tpu.memory_space<semaphore_mem>>
        %dma_start3A_401 = arith.constant 0 : i32
        %dma_start3A_402 = arith.constant 0 : i32
        %dma_start3A_403 = tpu.memref_slice %arg7[%dma_start3A_393, %dma_start3A_401, %dma_start3A_402] : memref<7x200x64xf32, #tpu.memory_space<vmem>> -> memref<1x200x64xf32, #tpu.memory_space<vmem>>
        %dma_start3A_404 = tpu.memref_squeeze %dma_start3A_403 : memref<1x200x64xf32, #tpu.memory_space<vmem>> -> memref<200x64xf32, #tpu.memory_space<vmem>>
        tpu.enqueue_dma source(%arg6 : memref<200x64xf32, #tpu.memory_space<vmem_shared>>) target(%dma_start3A_404 : memref<200x64xf32, #tpu.memory_space<vmem>>) target_semaphore(%dma_start3A_400 : memref<!tpu.dma_semaphore, #tpu.memory_space<semaphore_mem>>)
      } else {
      }
      %sub3A_357 = arith.constant 1 : i32
      %sub3A_358 = arith.subi %add3A_351, %sub3A_357 : i32
      %ge3A_359 = arith.constant 0 : i32
      %ge3A_360 = arith.cmpi sge, %sub3A_358, %ge3A_359 : i32
      %lt3A_361 = arith.constant 128 : i32
      %lt3A_362 = arith.cmpi slt, %sub3A_358, %lt3A_361 : i32
      %and3A_363 = arith.andi %ge3A_360, %lt3A_362 : i1
      %convert_element_type3A_364 = arith.extui %and3A_363 : i1 to i32
      %cond3A_365 = arith.constant 0 : i32
      %cond3A_366 = arith.cmpi ne, %convert_element_type3A_364, %cond3A_365 : i32
      scf.if %cond3A_366 {
        %add3A_379 = arith.addi %mul3A_4, %sub3A_358 : i32
        %dma_wait3A_380 = arith.constant 5 : i32
        %dma_wait3A_381 = arith.constant 0 : i32
        %dma_wait3A_382 = tpu.memref_slice %arg2[%add3A_379, %dma_wait3A_381] : memref<4096x200xi32, #tpu.memory_space<hbm>> -> memref<1x200xi32, #tpu.memory_space<hbm>>
        %dma_wait3A_383 = tpu.memref_squeeze %dma_wait3A_382 : memref<1x200xi32, #tpu.memory_space<hbm>> -> memref<200xi32, #tpu.memory_space<hbm>>
        %dma_wait3A_384 = tpu.memref_slice %arg15[%dma_wait3A_380] : memref<7x!tpu.dma_semaphore, #tpu.memory_space<semaphore_mem>> -> memref<1x!tpu.dma_semaphore, #tpu.memory_space<semaphore_mem>>
        %dma_wait3A_385 = tpu.memref_squeeze %dma_wait3A_384 : memref<1x!tpu.dma_semaphore, #tpu.memory_space<semaphore_mem>> -> memref<!tpu.dma_semaphore, #tpu.memory_space<semaphore_mem>>
        %dma_wait3A_386 = arith.constant 0 : i32
        %dma_wait3A_387 = tpu.memref_slice %arg2[%add3A_379, %dma_wait3A_386] : memref<4096x200xi32, #tpu.memory_space<hbm>> -> memref<1x200xi32, #tpu.memory_space<hbm>>
        %dma_wait3A_388 = tpu.memref_squeeze %dma_wait3A_387 : memref<1x200xi32, #tpu.memory_space<hbm>> -> memref<200xi32, #tpu.memory_space<hbm>>
        tpu.wait_dma2 semaphore(%dma_wait3A_385 : memref<!tpu.dma_semaphore, #tpu.memory_space<semaphore_mem>>) src(%dma_wait3A_388 : memref<200xi32, #tpu.memory_space<hbm>>) dst(%arg13 : memref<200xi32, #tpu.memory_space<vmem>>)
        %dma_wait3A_389 = arith.constant 5 : i32
        %dma_wait3A_390 = arith.constant 5 : i32
        %dma_wait3A_391 = arith.constant 0 : i32
        %dma_wait3A_392 = arith.constant 0 : i32
        %dma_wait3A_393 = tpu.memref_slice %arg7[%dma_wait3A_389, %dma_wait3A_391, %dma_wait3A_392] : memref<7x200x64xf32, #tpu.memory_space<vmem>> -> memref<1x200x64xf32, #tpu.memory_space<vmem>>
        %dma_wait3A_394 = tpu.memref_squeeze %dma_wait3A_393 : memref<1x200x64xf32, #tpu.memory_space<vmem>> -> memref<200x64xf32, #tpu.memory_space<vmem>>
        %dma_wait3A_395 = tpu.memref_slice %arg16[%dma_wait3A_390] : memref<7x!tpu.dma_semaphore, #tpu.memory_space<semaphore_mem>> -> memref<1x!tpu.dma_semaphore, #tpu.memory_space<semaphore_mem>>
        %dma_wait3A_396 = tpu.memref_squeeze %dma_wait3A_395 : memref<1x!tpu.dma_semaphore, #tpu.memory_space<semaphore_mem>> -> memref<!tpu.dma_semaphore, #tpu.memory_space<semaphore_mem>>
        %dma_wait3A_397 = arith.constant 0 : i32
        %dma_wait3A_398 = arith.constant 0 : i32
        %dma_wait3A_399 = tpu.memref_slice %arg7[%dma_wait3A_389, %dma_wait3A_397, %dma_wait3A_398] : memref<7x200x64xf32, #tpu.memory_space<vmem>> -> memref<1x200x64xf32, #tpu.memory_space<vmem>>
        %dma_wait3A_400 = tpu.memref_squeeze %dma_wait3A_399 : memref<1x200x64xf32, #tpu.memory_space<vmem>> -> memref<200x64xf32, #tpu.memory_space<vmem>>
        tpu.wait_dma2 semaphore(%dma_wait3A_396 : memref<!tpu.dma_semaphore, #tpu.memory_space<semaphore_mem>>) src(%arg6 : memref<200x64xf32, #tpu.memory_space<vmem_shared>>) dst(%dma_wait3A_400 : memref<200x64xf32, #tpu.memory_space<vmem>>)
        %dma_start3A = arith.constant 5 : i32
        %dma_start3A_401 = arith.constant 5 : i32
        %dma_start3A_402 = arith.constant 0 : i32
        %dma_start3A_403 = arith.constant 0 : i32
        %dma_start3A_404 = tpu.memref_slice %arg7[%dma_start3A, %dma_start3A_402, %dma_start3A_403] : memref<7x200x64xf32, #tpu.memory_space<vmem>> -> memref<1x200x64xf32, #tpu.memory_space<vmem>>
        %dma_start3A_405 = tpu.memref_squeeze %dma_start3A_404 : memref<1x200x64xf32, #tpu.memory_space<vmem>> -> memref<200x64xf32, #tpu.memory_space<vmem>>
        %dma_start3A_406 = arith.constant 0 : i32
        %dma_start3A_407 = arith.constant 0 : i32
        %dma_start3A_408 = tpu.memref_slice %arg3[%dma_start3A_406, %dma_start3A_407] : memref<1000000x64xf32, #tpu.memory_space<hbm>> -> memref<1000000x64xf32, #tpu.memory_space<hbm>>
        %dma_start3A_409 = tpu.memref_slice %arg17[%dma_start3A_401] : memref<7x!tpu.dma_semaphore, #tpu.memory_space<semaphore_mem>> -> memref<1x!tpu.dma_semaphore, #tpu.memory_space<semaphore_mem>>
        %dma_start3A_410 = tpu.memref_squeeze %dma_start3A_409 : memref<1x!tpu.dma_semaphore, #tpu.memory_space<semaphore_mem>> -> memref<!tpu.dma_semaphore, #tpu.memory_space<semaphore_mem>>
        tpu.enqueue_indirect_dma source(%dma_start3A_408 : memref<1000000x64xf32, #tpu.memory_space<hbm>>) target(%dma_start3A_405 : memref<200x64xf32, #tpu.memory_space<vmem>>) offsets(%arg13 : memref<200xi32, #tpu.memory_space<vmem>>) semaphore(%dma_start3A_410 : memref<!tpu.dma_semaphore, #tpu.memory_space<semaphore_mem>>) {add = true}
      } else {
      }
      %sub3A_367 = arith.constant 1 : i32
      %sub3A_368 = arith.subi %add3A_351, %sub3A_367 : i32
      %sub3A_369 = arith.constant 4 : i32
      %sub3A_370 = arith.subi %sub3A_368, %sub3A_369 : i32
      %ge3A_371 = arith.constant 0 : i32
      %ge3A_372 = arith.cmpi sge, %sub3A_370, %ge3A_371 : i32
      %lt3A_373 = arith.constant 128 : i32
      %lt3A_374 = arith.cmpi slt, %sub3A_370, %lt3A_373 : i32
      %and3A_375 = arith.andi %ge3A_372, %lt3A_374 : i1
      %convert_element_type3A_376 = arith.extui %and3A_375 : i1 to i32
      %cond3A_377 = arith.constant 0 : i32
      %cond3A_378 = arith.cmpi ne, %convert_element_type3A_376, %cond3A_377 : i32
      scf.if %cond3A_378 {
        %dma_wait3A_379 = arith.constant 1 : i32
        %dma_wait3A_380 = arith.constant 1 : i32
        %dma_wait3A_381 = arith.constant 0 : i32
        %dma_wait3A_382 = arith.constant 0 : i32
        %dma_wait3A_383 = tpu.memref_slice %arg7[%dma_wait3A_379, %dma_wait3A_381, %dma_wait3A_382] : memref<7x200x64xf32, #tpu.memory_space<vmem>> -> memref<1x200x64xf32, #tpu.memory_space<vmem>>
        %dma_wait3A_384 = tpu.memref_squeeze %dma_wait3A_383 : memref<1x200x64xf32, #tpu.memory_space<vmem>> -> memref<200x64xf32, #tpu.memory_space<vmem>>
        %dma_wait3A_385 = arith.constant 0 : i32
        %dma_wait3A_386 = arith.constant 0 : i32
        %dma_wait3A_387 = tpu.memref_slice %arg3[%dma_wait3A_385, %dma_wait3A_386] : memref<1000000x64xf32, #tpu.memory_space<hbm>> -> memref<1000000x64xf32, #tpu.memory_space<hbm>>
        %dma_wait3A_388 = tpu.memref_slice %arg17[%dma_wait3A_380] : memref<7x!tpu.dma_semaphore, #tpu.memory_space<semaphore_mem>> -> memref<1x!tpu.dma_semaphore, #tpu.memory_space<semaphore_mem>>
        %dma_wait3A_389 = tpu.memref_squeeze %dma_wait3A_388 : memref<1x!tpu.dma_semaphore, #tpu.memory_space<semaphore_mem>> -> memref<!tpu.dma_semaphore, #tpu.memory_space<semaphore_mem>>
        tpu.wait_indirect_dma semaphore(%dma_wait3A_389 : memref<!tpu.dma_semaphore, #tpu.memory_space<semaphore_mem>>) src(%dma_wait3A_387 : memref<1000000x64xf32, #tpu.memory_space<hbm>>) dst(%dma_wait3A_384 : memref<200x64xf32, #tpu.memory_space<vmem>>)
        %add3A_390 = arith.addi %mul3A_4, %sub3A_370 : i32
        %dma_start3A = arith.constant 1 : i32
        %dma_start3A_391 = arith.constant 1 : i32
        %dma_start3A_392 = arith.constant 0 : i32
        %dma_start3A_393 = arith.constant 0 : i32
        %dma_start3A_394 = tpu.memref_slice %arg7[%dma_start3A, %dma_start3A_392, %dma_start3A_393] : memref<7x200x64xf32, #tpu.memory_space<vmem>> -> memref<1x200x64xf32, #tpu.memory_space<vmem>>
        %dma_start3A_395 = tpu.memref_squeeze %dma_start3A_394 : memref<1x200x64xf32, #tpu.memory_space<vmem>> -> memref<200x64xf32, #tpu.memory_space<vmem>>
        %dma_start3A_396 = arith.constant 0 : i32
        %dma_start3A_397 = arith.constant 0 : i32
        %dma_start3A_398 = tpu.memref_slice %arg5[%add3A_390, %dma_start3A_396, %dma_start3A_397] : memref<4096x200x128xf32, #tpu.memory_space<hbm>> -> memref<1x200x64xf32, #tpu.memory_space<hbm>>
        %dma_start3A_399 = tpu.memref_squeeze %dma_start3A_398 : memref<1x200x64xf32, #tpu.memory_space<hbm>> -> memref<200x64xf32, #tpu.memory_space<hbm>>
        %dma_start3A_400 = tpu.memref_slice %arg18[%dma_start3A_391] : memref<7x!tpu.dma_semaphore, #tpu.memory_space<semaphore_mem>> -> memref<1x!tpu.dma_semaphore, #tpu.memory_space<semaphore_mem>>
        %dma_start3A_401 = tpu.memref_squeeze %dma_start3A_400 : memref<1x!tpu.dma_semaphore, #tpu.memory_space<semaphore_mem>> -> memref<!tpu.dma_semaphore, #tpu.memory_space<semaphore_mem>>
        %dma_start3A_402 = arith.constant 0 : i32
        %dma_start3A_403 = arith.constant 0 : i32
        %dma_start3A_404 = tpu.memref_slice %arg5[%add3A_390, %dma_start3A_402, %dma_start3A_403] : memref<4096x200x128xf32, #tpu.memory_space<hbm>> -> memref<1x200x64xf32, #tpu.memory_space<hbm>>
        %dma_start3A_405 = tpu.memref_squeeze %dma_start3A_404 : memref<1x200x64xf32, #tpu.memory_space<hbm>> -> memref<200x64xf32, #tpu.memory_space<hbm>>
        %dma_start3A_406 = arith.constant 0 : i32
        %dma_start3A_407 = arith.constant 0 : i32
        %dma_start3A_408 = tpu.memref_slice %arg7[%dma_start3A, %dma_start3A_406, %dma_start3A_407] : memref<7x200x64xf32, #tpu.memory_space<vmem>> -> memref<1x200x64xf32, #tpu.memory_space<vmem>>
        %dma_start3A_409 = tpu.memref_squeeze %dma_start3A_408 : memref<1x200x64xf32, #tpu.memory_space<vmem>> -> memref<200x64xf32, #tpu.memory_space<vmem>>
        tpu.enqueue_dma source(%dma_start3A_409 : memref<200x64xf32, #tpu.memory_space<vmem>>) target(%dma_start3A_405 : memref<200x64xf32, #tpu.memory_space<hbm>>) target_semaphore(%dma_start3A_401 : memref<!tpu.dma_semaphore, #tpu.memory_space<semaphore_mem>>)
      } else {
      }
    }
    %scan3A_11 = arith.constant 19 : i32
    %add3A_12 = arith.constant 121 : i32
    %add3A_13 = arith.addi %mul3A_4, %add3A_12 : i32
    %dma_wait3A = arith.constant 2 : i32
    %dma_wait3A_14 = arith.constant 2 : i32
    %dma_wait3A_15 = arith.constant 0 : i32
    %dma_wait3A_16 = arith.constant 0 : i32
    %dma_wait3A_17 = tpu.memref_slice %arg7[%dma_wait3A, %dma_wait3A_15, %dma_wait3A_16] : memref<7x200x64xf32, #tpu.memory_space<vmem>> -> memref<1x200x64xf32, #tpu.memory_space<vmem>>
    %dma_wait3A_18 = tpu.memref_squeeze %dma_wait3A_17 : memref<1x200x64xf32, #tpu.memory_space<vmem>> -> memref<200x64xf32, #tpu.memory_space<vmem>>
    %dma_wait3A_19 = arith.constant 0 : i32
    %dma_wait3A_20 = arith.constant 0 : i32
    %dma_wait3A_21 = tpu.memref_slice %arg5[%add3A_13, %dma_wait3A_19, %dma_wait3A_20] : memref<4096x200x128xf32, #tpu.memory_space<hbm>> -> memref<1x200x64xf32, #tpu.memory_space<hbm>>
    %dma_wait3A_22 = tpu.memref_squeeze %dma_wait3A_21 : memref<1x200x64xf32, #tpu.memory_space<hbm>> -> memref<200x64xf32, #tpu.memory_space<hbm>>
    %dma_wait3A_23 = tpu.memref_slice %arg18[%dma_wait3A_14] : memref<7x!tpu.dma_semaphore, #tpu.memory_space<semaphore_mem>> -> memref<1x!tpu.dma_semaphore, #tpu.memory_space<semaphore_mem>>
    %dma_wait3A_24 = tpu.memref_squeeze %dma_wait3A_23 : memref<1x!tpu.dma_semaphore, #tpu.memory_space<semaphore_mem>> -> memref<!tpu.dma_semaphore, #tpu.memory_space<semaphore_mem>>
    %dma_wait3A_25 = arith.constant 0 : i32
    %dma_wait3A_26 = arith.constant 0 : i32
    %dma_wait3A_27 = tpu.memref_slice %arg5[%add3A_13, %dma_wait3A_25, %dma_wait3A_26] : memref<4096x200x128xf32, #tpu.memory_space<hbm>> -> memref<1x200x64xf32, #tpu.memory_space<hbm>>
    %dma_wait3A_28 = tpu.memref_squeeze %dma_wait3A_27 : memref<1x200x64xf32, #tpu.memory_space<hbm>> -> memref<200x64xf32, #tpu.memory_space<hbm>>
    %dma_wait3A_29 = arith.constant 0 : i32
    %dma_wait3A_30 = arith.constant 0 : i32
    %dma_wait3A_31 = tpu.memref_slice %arg7[%dma_wait3A, %dma_wait3A_29, %dma_wait3A_30] : memref<7x200x64xf32, #tpu.memory_space<vmem>> -> memref<1x200x64xf32, #tpu.memory_space<vmem>>
    %dma_wait3A_32 = tpu.memref_squeeze %dma_wait3A_31 : memref<1x200x64xf32, #tpu.memory_space<vmem>> -> memref<200x64xf32, #tpu.memory_space<vmem>>
    tpu.wait_dma2 semaphore(%dma_wait3A_24 : memref<!tpu.dma_semaphore, #tpu.memory_space<semaphore_mem>>) src(%dma_wait3A_32 : memref<200x64xf32, #tpu.memory_space<vmem>>) dst(%dma_wait3A_28 : memref<200x64xf32, #tpu.memory_space<hbm>>)
    %add3A_33 = arith.constant 122 : i32
    %add3A_34 = arith.addi %mul3A_4, %add3A_33 : i32
    %dma_wait3A_35 = arith.constant 3 : i32
    %dma_wait3A_36 = arith.constant 3 : i32
    %dma_wait3A_37 = arith.constant 0 : i32
    %dma_wait3A_38 = arith.constant 0 : i32
    %dma_wait3A_39 = tpu.memref_slice %arg7[%dma_wait3A_35, %dma_wait3A_37, %dma_wait3A_38] : memref<7x200x64xf32, #tpu.memory_space<vmem>> -> memref<1x200x64xf32, #tpu.memory_space<vmem>>
    %dma_wait3A_40 = tpu.memref_squeeze %dma_wait3A_39 : memref<1x200x64xf32, #tpu.memory_space<vmem>> -> memref<200x64xf32, #tpu.memory_space<vmem>>
    %dma_wait3A_41 = arith.constant 0 : i32
    %dma_wait3A_42 = arith.constant 0 : i32
    %dma_wait3A_43 = tpu.memref_slice %arg5[%add3A_34, %dma_wait3A_41, %dma_wait3A_42] : memref<4096x200x128xf32, #tpu.memory_space<hbm>> -> memref<1x200x64xf32, #tpu.memory_space<hbm>>
    %dma_wait3A_44 = tpu.memref_squeeze %dma_wait3A_43 : memref<1x200x64xf32, #tpu.memory_space<hbm>> -> memref<200x64xf32, #tpu.memory_space<hbm>>
    %dma_wait3A_45 = tpu.memref_slice %arg18[%dma_wait3A_36] : memref<7x!tpu.dma_semaphore, #tpu.memory_space<semaphore_mem>> -> memref<1x!tpu.dma_semaphore, #tpu.memory_space<semaphore_mem>>
    %dma_wait3A_46 = tpu.memref_squeeze %dma_wait3A_45 : memref<1x!tpu.dma_semaphore, #tpu.memory_space<semaphore_mem>> -> memref<!tpu.dma_semaphore, #tpu.memory_space<semaphore_mem>>
    %dma_wait3A_47 = arith.constant 0 : i32
    %dma_wait3A_48 = arith.constant 0 : i32
    %dma_wait3A_49 = tpu.memref_slice %arg5[%add3A_34, %dma_wait3A_47, %dma_wait3A_48] : memref<4096x200x128xf32, #tpu.memory_space<hbm>> -> memref<1x200x64xf32, #tpu.memory_space<hbm>>
    %dma_wait3A_50 = tpu.memref_squeeze %dma_wait3A_49 : memref<1x200x64xf32, #tpu.memory_space<hbm>> -> memref<200x64xf32, #tpu.memory_space<hbm>>
    %dma_wait3A_51 = arith.constant 0 : i32
    %dma_wait3A_52 = arith.constant 0 : i32
    %dma_wait3A_53 = tpu.memref_slice %arg7[%dma_wait3A_35, %dma_wait3A_51, %dma_wait3A_52] : memref<7x200x64xf32, #tpu.memory_space<vmem>> -> memref<1x200x64xf32, #tpu.memory_space<vmem>>
    %dma_wait3A_54 = tpu.memref_squeeze %dma_wait3A_53 : memref<1x200x64xf32, #tpu.memory_space<vmem>> -> memref<200x64xf32, #tpu.memory_space<vmem>>
    tpu.wait_dma2 semaphore(%dma_wait3A_46 : memref<!tpu.dma_semaphore, #tpu.memory_space<semaphore_mem>>) src(%dma_wait3A_54 : memref<200x64xf32, #tpu.memory_space<vmem>>) dst(%dma_wait3A_50 : memref<200x64xf32, #tpu.memory_space<hbm>>)
    %add3A_55 = arith.constant 123 : i32
    %add3A_56 = arith.addi %mul3A_4, %add3A_55 : i32
    %dma_wait3A_57 = arith.constant 4 : i32
    %dma_wait3A_58 = arith.constant 4 : i32
    %dma_wait3A_59 = arith.constant 0 : i32
    %dma_wait3A_60 = arith.constant 0 : i32
    %dma_wait3A_61 = tpu.memref_slice %arg7[%dma_wait3A_57, %dma_wait3A_59, %dma_wait3A_60] : memref<7x200x64xf32, #tpu.memory_space<vmem>> -> memref<1x200x64xf32, #tpu.memory_space<vmem>>
    %dma_wait3A_62 = tpu.memref_squeeze %dma_wait3A_61 : memref<1x200x64xf32, #tpu.memory_space<vmem>> -> memref<200x64xf32, #tpu.memory_space<vmem>>
    %dma_wait3A_63 = arith.constant 0 : i32
    %dma_wait3A_64 = arith.constant 0 : i32
    %dma_wait3A_65 = tpu.memref_slice %arg5[%add3A_56, %dma_wait3A_63, %dma_wait3A_64] : memref<4096x200x128xf32, #tpu.memory_space<hbm>> -> memref<1x200x64xf32, #tpu.memory_space<hbm>>
    %dma_wait3A_66 = tpu.memref_squeeze %dma_wait3A_65 : memref<1x200x64xf32, #tpu.memory_space<hbm>> -> memref<200x64xf32, #tpu.memory_space<hbm>>
    %dma_wait3A_67 = tpu.memref_slice %arg18[%dma_wait3A_58] : memref<7x!tpu.dma_semaphore, #tpu.memory_space<semaphore_mem>> -> memref<1x!tpu.dma_semaphore, #tpu.memory_space<semaphore_mem>>
    %dma_wait3A_68 = tpu.memref_squeeze %dma_wait3A_67 : memref<1x!tpu.dma_semaphore, #tpu.memory_space<semaphore_mem>> -> memref<!tpu.dma_semaphore, #tpu.memory_space<semaphore_mem>>
    %dma_wait3A_69 = arith.constant 0 : i32
    %dma_wait3A_70 = arith.constant 0 : i32
    %dma_wait3A_71 = tpu.memref_slice %arg5[%add3A_56, %dma_wait3A_69, %dma_wait3A_70] : memref<4096x200x128xf32, #tpu.memory_space<hbm>> -> memref<1x200x64xf32, #tpu.memory_space<hbm>>
    %dma_wait3A_72 = tpu.memref_squeeze %dma_wait3A_71 : memref<1x200x64xf32, #tpu.memory_space<hbm>> -> memref<200x64xf32, #tpu.memory_space<hbm>>
    %dma_wait3A_73 = arith.constant 0 : i32
    %dma_wait3A_74 = arith.constant 0 : i32
    %dma_wait3A_75 = tpu.memref_slice %arg7[%dma_wait3A_57, %dma_wait3A_73, %dma_wait3A_74] : memref<7x200x64xf32, #tpu.memory_space<vmem>> -> memref<1x200x64xf32, #tpu.memory_space<vmem>>
    %dma_wait3A_76 = tpu.memref_squeeze %dma_wait3A_75 : memref<1x200x64xf32, #tpu.memory_space<vmem>> -> memref<200x64xf32, #tpu.memory_space<vmem>>
    tpu.wait_dma2 semaphore(%dma_wait3A_68 : memref<!tpu.dma_semaphore, #tpu.memory_space<semaphore_mem>>) src(%dma_wait3A_76 : memref<200x64xf32, #tpu.memory_space<vmem>>) dst(%dma_wait3A_72 : memref<200x64xf32, #tpu.memory_space<hbm>>)
    %add3A_77 = arith.constant 124 : i32
    %add3A_78 = arith.addi %mul3A_4, %add3A_77 : i32
    %dma_wait3A_79 = arith.constant 5 : i32
    %dma_wait3A_80 = arith.constant 5 : i32
    %dma_wait3A_81 = arith.constant 0 : i32
    %dma_wait3A_82 = arith.constant 0 : i32
    %dma_wait3A_83 = tpu.memref_slice %arg7[%dma_wait3A_79, %dma_wait3A_81, %dma_wait3A_82] : memref<7x200x64xf32, #tpu.memory_space<vmem>> -> memref<1x200x64xf32, #tpu.memory_space<vmem>>
    %dma_wait3A_84 = tpu.memref_squeeze %dma_wait3A_83 : memref<1x200x64xf32, #tpu.memory_space<vmem>> -> memref<200x64xf32, #tpu.memory_space<vmem>>
    %dma_wait3A_85 = arith.constant 0 : i32
    %dma_wait3A_86 = arith.constant 0 : i32
    %dma_wait3A_87 = tpu.memref_slice %arg5[%add3A_78, %dma_wait3A_85, %dma_wait3A_86] : memref<4096x200x128xf32, #tpu.memory_space<hbm>> -> memref<1x200x64xf32, #tpu.memory_space<hbm>>
    %dma_wait3A_88 = tpu.memref_squeeze %dma_wait3A_87 : memref<1x200x64xf32, #tpu.memory_space<hbm>> -> memref<200x64xf32, #tpu.memory_space<hbm>>
    %dma_wait3A_89 = tpu.memref_slice %arg18[%dma_wait3A_80] : memref<7x!tpu.dma_semaphore, #tpu.memory_space<semaphore_mem>> -> memref<1x!tpu.dma_semaphore, #tpu.memory_space<semaphore_mem>>
    %dma_wait3A_90 = tpu.memref_squeeze %dma_wait3A_89 : memref<1x!tpu.dma_semaphore, #tpu.memory_space<semaphore_mem>> -> memref<!tpu.dma_semaphore, #tpu.memory_space<semaphore_mem>>
    %dma_wait3A_91 = arith.constant 0 : i32
    %dma_wait3A_92 = arith.constant 0 : i32
    %dma_wait3A_93 = tpu.memref_slice %arg5[%add3A_78, %dma_wait3A_91, %dma_wait3A_92] : memref<4096x200x128xf32, #tpu.memory_space<hbm>> -> memref<1x200x64xf32, #tpu.memory_space<hbm>>
    %dma_wait3A_94 = tpu.memref_squeeze %dma_wait3A_93 : memref<1x200x64xf32, #tpu.memory_space<hbm>> -> memref<200x64xf32, #tpu.memory_space<hbm>>
    %dma_wait3A_95 = arith.constant 0 : i32
    %dma_wait3A_96 = arith.constant 0 : i32
    %dma_wait3A_97 = tpu.memref_slice %arg7[%dma_wait3A_79, %dma_wait3A_95, %dma_wait3A_96] : memref<7x200x64xf32, #tpu.memory_space<vmem>> -> memref<1x200x64xf32, #tpu.memory_space<vmem>>
    %dma_wait3A_98 = tpu.memref_squeeze %dma_wait3A_97 : memref<1x200x64xf32, #tpu.memory_space<vmem>> -> memref<200x64xf32, #tpu.memory_space<vmem>>
    tpu.wait_dma2 semaphore(%dma_wait3A_90 : memref<!tpu.dma_semaphore, #tpu.memory_space<semaphore_mem>>) src(%dma_wait3A_98 : memref<200x64xf32, #tpu.memory_space<vmem>>) dst(%dma_wait3A_94 : memref<200x64xf32, #tpu.memory_space<hbm>>)
    %add3A_99 = arith.constant 125 : i32
    %add3A_100 = arith.addi %mul3A_4, %add3A_99 : i32
    %dma_wait3A_101 = arith.constant 6 : i32
    %dma_wait3A_102 = arith.constant 6 : i32
    %dma_wait3A_103 = arith.constant 0 : i32
    %dma_wait3A_104 = arith.constant 0 : i32
    %dma_wait3A_105 = tpu.memref_slice %arg7[%dma_wait3A_101, %dma_wait3A_103, %dma_wait3A_104] : memref<7x200x64xf32, #tpu.memory_space<vmem>> -> memref<1x200x64xf32, #tpu.memory_space<vmem>>
    %dma_wait3A_106 = tpu.memref_squeeze %dma_wait3A_105 : memref<1x200x64xf32, #tpu.memory_space<vmem>> -> memref<200x64xf32, #tpu.memory_space<vmem>>
    %dma_wait3A_107 = arith.constant 0 : i32
    %dma_wait3A_108 = arith.constant 0 : i32
    %dma_wait3A_109 = tpu.memref_slice %arg5[%add3A_100, %dma_wait3A_107, %dma_wait3A_108] : memref<4096x200x128xf32, #tpu.memory_space<hbm>> -> memref<1x200x64xf32, #tpu.memory_space<hbm>>
    %dma_wait3A_110 = tpu.memref_squeeze %dma_wait3A_109 : memref<1x200x64xf32, #tpu.memory_space<hbm>> -> memref<200x64xf32, #tpu.memory_space<hbm>>
    %dma_wait3A_111 = tpu.memref_slice %arg18[%dma_wait3A_102] : memref<7x!tpu.dma_semaphore, #tpu.memory_space<semaphore_mem>> -> memref<1x!tpu.dma_semaphore, #tpu.memory_space<semaphore_mem>>
    %dma_wait3A_112 = tpu.memref_squeeze %dma_wait3A_111 : memref<1x!tpu.dma_semaphore, #tpu.memory_space<semaphore_mem>> -> memref<!tpu.dma_semaphore, #tpu.memory_space<semaphore_mem>>
    %dma_wait3A_113 = arith.constant 0 : i32
    %dma_wait3A_114 = arith.constant 0 : i32
    %dma_wait3A_115 = tpu.memref_slice %arg5[%add3A_100, %dma_wait3A_113, %dma_wait3A_114] : memref<4096x200x128xf32, #tpu.memory_space<hbm>> -> memref<1x200x64xf32, #tpu.memory_space<hbm>>
    %dma_wait3A_116 = tpu.memref_squeeze %dma_wait3A_115 : memref<1x200x64xf32, #tpu.memory_space<hbm>> -> memref<200x64xf32, #tpu.memory_space<hbm>>
    %dma_wait3A_117 = arith.constant 0 : i32
    %dma_wait3A_118 = arith.constant 0 : i32
    %dma_wait3A_119 = tpu.memref_slice %arg7[%dma_wait3A_101, %dma_wait3A_117, %dma_wait3A_118] : memref<7x200x64xf32, #tpu.memory_space<vmem>> -> memref<1x200x64xf32, #tpu.memory_space<vmem>>
    %dma_wait3A_120 = tpu.memref_squeeze %dma_wait3A_119 : memref<1x200x64xf32, #tpu.memory_space<vmem>> -> memref<200x64xf32, #tpu.memory_space<vmem>>
    tpu.wait_dma2 semaphore(%dma_wait3A_112 : memref<!tpu.dma_semaphore, #tpu.memory_space<semaphore_mem>>) src(%dma_wait3A_120 : memref<200x64xf32, #tpu.memory_space<vmem>>) dst(%dma_wait3A_116 : memref<200x64xf32, #tpu.memory_space<hbm>>)
    %add3A_121 = arith.constant 126 : i32
    %add3A_122 = arith.addi %mul3A_4, %add3A_121 : i32
    %dma_wait3A_123 = arith.constant 0 : i32
    %dma_wait3A_124 = arith.constant 0 : i32
    %dma_wait3A_125 = arith.constant 0 : i32
    %dma_wait3A_126 = arith.constant 0 : i32
    %dma_wait3A_127 = tpu.memref_slice %arg7[%dma_wait3A_123, %dma_wait3A_125, %dma_wait3A_126] : memref<7x200x64xf32, #tpu.memory_space<vmem>> -> memref<1x200x64xf32, #tpu.memory_space<vmem>>
    %dma_wait3A_128 = tpu.memref_squeeze %dma_wait3A_127 : memref<1x200x64xf32, #tpu.memory_space<vmem>> -> memref<200x64xf32, #tpu.memory_space<vmem>>
    %dma_wait3A_129 = arith.constant 0 : i32
    %dma_wait3A_130 = arith.constant 0 : i32
    %dma_wait3A_131 = tpu.memref_slice %arg5[%add3A_122, %dma_wait3A_129, %dma_wait3A_130] : memref<4096x200x128xf32, #tpu.memory_space<hbm>> -> memref<1x200x64xf32, #tpu.memory_space<hbm>>
    %dma_wait3A_132 = tpu.memref_squeeze %dma_wait3A_131 : memref<1x200x64xf32, #tpu.memory_space<hbm>> -> memref<200x64xf32, #tpu.memory_space<hbm>>
    %dma_wait3A_133 = tpu.memref_slice %arg18[%dma_wait3A_124] : memref<7x!tpu.dma_semaphore, #tpu.memory_space<semaphore_mem>> -> memref<1x!tpu.dma_semaphore, #tpu.memory_space<semaphore_mem>>
    %dma_wait3A_134 = tpu.memref_squeeze %dma_wait3A_133 : memref<1x!tpu.dma_semaphore, #tpu.memory_space<semaphore_mem>> -> memref<!tpu.dma_semaphore, #tpu.memory_space<semaphore_mem>>
    %dma_wait3A_135 = arith.constant 0 : i32
    %dma_wait3A_136 = arith.constant 0 : i32
    %dma_wait3A_137 = tpu.memref_slice %arg5[%add3A_122, %dma_wait3A_135, %dma_wait3A_136] : memref<4096x200x128xf32, #tpu.memory_space<hbm>> -> memref<1x200x64xf32, #tpu.memory_space<hbm>>
    %dma_wait3A_138 = tpu.memref_squeeze %dma_wait3A_137 : memref<1x200x64xf32, #tpu.memory_space<hbm>> -> memref<200x64xf32, #tpu.memory_space<hbm>>
    %dma_wait3A_139 = arith.constant 0 : i32
    %dma_wait3A_140 = arith.constant 0 : i32
    %dma_wait3A_141 = tpu.memref_slice %arg7[%dma_wait3A_123, %dma_wait3A_139, %dma_wait3A_140] : memref<7x200x64xf32, #tpu.memory_space<vmem>> -> memref<1x200x64xf32, #tpu.memory_space<vmem>>
    %dma_wait3A_142 = tpu.memref_squeeze %dma_wait3A_141 : memref<1x200x64xf32, #tpu.memory_space<vmem>> -> memref<200x64xf32, #tpu.memory_space<vmem>>
    tpu.wait_dma2 semaphore(%dma_wait3A_134 : memref<!tpu.dma_semaphore, #tpu.memory_space<semaphore_mem>>) src(%dma_wait3A_142 : memref<200x64xf32, #tpu.memory_space<vmem>>) dst(%dma_wait3A_138 : memref<200x64xf32, #tpu.memory_space<hbm>>)
    %add3A_143 = arith.constant 127 : i32
    %add3A_144 = arith.addi %mul3A_4, %add3A_143 : i32
    %dma_wait3A_145 = arith.constant 1 : i32
    %dma_wait3A_146 = arith.constant 1 : i32
    %dma_wait3A_147 = arith.constant 0 : i32
    %dma_wait3A_148 = arith.constant 0 : i32
    %dma_wait3A_149 = tpu.memref_slice %arg7[%dma_wait3A_145, %dma_wait3A_147, %dma_wait3A_148] : memref<7x200x64xf32, #tpu.memory_space<vmem>> -> memref<1x200x64xf32, #tpu.memory_space<vmem>>
    %dma_wait3A_150 = tpu.memref_squeeze %dma_wait3A_149 : memref<1x200x64xf32, #tpu.memory_space<vmem>> -> memref<200x64xf32, #tpu.memory_space<vmem>>
    %dma_wait3A_151 = arith.constant 0 : i32
    %dma_wait3A_152 = arith.constant 0 : i32
    %dma_wait3A_153 = tpu.memref_slice %arg5[%add3A_144, %dma_wait3A_151, %dma_wait3A_152] : memref<4096x200x128xf32, #tpu.memory_space<hbm>> -> memref<1x200x64xf32, #tpu.memory_space<hbm>>
    %dma_wait3A_154 = tpu.memref_squeeze %dma_wait3A_153 : memref<1x200x64xf32, #tpu.memory_space<hbm>> -> memref<200x64xf32, #tpu.memory_space<hbm>>
    %dma_wait3A_155 = tpu.memref_slice %arg18[%dma_wait3A_146] : memref<7x!tpu.dma_semaphore, #tpu.memory_space<semaphore_mem>> -> memref<1x!tpu.dma_semaphore, #tpu.memory_space<semaphore_mem>>
    %dma_wait3A_156 = tpu.memref_squeeze %dma_wait3A_155 : memref<1x!tpu.dma_semaphore, #tpu.memory_space<semaphore_mem>> -> memref<!tpu.dma_semaphore, #tpu.memory_space<semaphore_mem>>
    %dma_wait3A_157 = arith.constant 0 : i32
    %dma_wait3A_158 = arith.constant 0 : i32
    %dma_wait3A_159 = tpu.memref_slice %arg5[%add3A_144, %dma_wait3A_157, %dma_wait3A_158] : memref<4096x200x128xf32, #tpu.memory_space<hbm>> -> memref<1x200x64xf32, #tpu.memory_space<hbm>>
    %dma_wait3A_160 = tpu.memref_squeeze %dma_wait3A_159 : memref<1x200x64xf32, #tpu.memory_space<hbm>> -> memref<200x64xf32, #tpu.memory_space<hbm>>
    %dma_wait3A_161 = arith.constant 0 : i32
    %dma_wait3A_162 = arith.constant 0 : i32
    %dma_wait3A_163 = tpu.memref_slice %arg7[%dma_wait3A_145, %dma_wait3A_161, %dma_wait3A_162] : memref<7x200x64xf32, #tpu.memory_space<vmem>> -> memref<1x200x64xf32, #tpu.memory_space<vmem>>
    %dma_wait3A_164 = tpu.memref_squeeze %dma_wait3A_163 : memref<1x200x64xf32, #tpu.memory_space<vmem>> -> memref<200x64xf32, #tpu.memory_space<vmem>>
    tpu.wait_dma2 semaphore(%dma_wait3A_156 : memref<!tpu.dma_semaphore, #tpu.memory_space<semaphore_mem>>) src(%dma_wait3A_164 : memref<200x64xf32, #tpu.memory_space<vmem>>) dst(%dma_wait3A_160 : memref<200x64xf32, #tpu.memory_space<hbm>>)
    return
  }
}

</mosaic_0001>

<sc_bundles>
// kernel: kernel.3.cloned.1.call-start
scs
__scs_entry_jumppad:
0x0: {  	(pc) =	sbr.rel $0x88, $3  }
0x1: {  	(tag) =	ssettag $0x0;
	lr =	simm.s32 $0x1  }
0x2: {  	[smem:$0x3F9E] =	sst lr;
	_ =	strace $0xD0000000  }
0x3: {  	_ = 	snop  }
0x4: {  	_ = 	snop  }
0x5: {  	_ = 	snop  }
0x6: {  	_ = 	snop  }
0x7: {  	_ = 	snop  }
__scs_overlays_trampoline_lowered:
0x8: {  	[smem:$0x3FAD] =	sst s0  }
0x9: {  	[smem:$0x3FAE] =	sst s1  }
0xa: {  	[smem:$0x3FAF] =	sst s2  }
0xb: {  	[smem:$0x3FB0] =	sst s3  }
0xc: {  	[smem:$0x3FB1] =	sst s4  }
0xd: {  	[smem:$0x3FB2] =	sst s5  }
0xe: {  	[smem:$0x3FB3] =	sst s6  }
0xf: {  	[smem:$0x3FB4] =	sst s7  }
0x10: {  	[smem:$0x3FB5] =	sst s8  }
0x11: {  	[smem:$0x3FB6] =	sst s9;
	s0 =	simm.s32 @!p0 $0x0  }
0x12: {  	s1 =	sld [smem:$0x3F9C];
	s0 =	simm.s32 @p0 $0x1  }
0x13: {  	[smem:$0x3FB7] =	sst s0;
	s0 =	simm.s32 @!p1 $0x0  }
0x14: {  	s2 =	sld [smem:$0x3F9B];
	s0 =	simm.s32 @p1 $0x1  }
0x15: {  	[smem:$0x3FB8] =	sst s0;
	s0 =	simm.s32 @!p2 $0x0  }
0x16: {  	s3 =	sld [smem:$0x3FDB];
	s0 =	simm.s32 @p2 $0x1  }
0x17: {  	s4 =	simm.s32 $0x1BF5;
	[smem:$0x3FBA] =	sst s0  }
0x18: {  	s0 =	sld [smem:$0x3F9D];
	_ =	swait.ge [sflag:s4], $0x0  }
0x19: {  	s7 =	sld [smem:$0x3F9E]  }
0x1a: {  	s8 =	sadd.s32 $0xFFFFE003, lr  }
0x1b: {  	s9 =	sadd.s32 $0xFFFFFEF7, lr;
	s5 =	simm.s32 $0xFFFFFFFF;
	p2 =	slt.u32 s8, $0xFFFFF086  }
0x1c: {  	p1 =	slt.u32 s9, $0xF7A;
	s5 =	simm.s32 @!p2 $0x0  }
0x1d: {  	s5 =	simm.s32 @p1 $0x1;
	p0 =	seq.s32 s7, s2  }
0x1e: {  	s7 =	smul.u32 @!p0 $0xF7A, s2;
	p2 =	seq.s32 @!p0 s5, $0x0  }
0x1f: {  	s9 =	smul.u32 $0xF7A, s1;
	s8 =	simm.s32 @!p0 $0x1BF5;
	p2 =	por !p2, p0  }
0x20: {  	[sflag:s8] =	ssyncset.s32 @!p0 $0xFFFFF086;
	s6 =	sadd.s32 @!p0 s3, s7;
	s7 =	simm.s32 @!p0 $0x108  }
0x21: {  	s3 =	sadd.s32 s3, s9;
	s6 =	sadd.s32 @!p0 $0x88, s6;
	s7 =	simm.s32 @p2 $0x1082  }
0x22: {  	[simem:s7], [sflag:s8] =	dma.local @!p0 [hbm:s6], $0xF7A  }
0x23: {  	s9 =	sor.u32 $0xD0000000, s2;
	s6 =	simm.s32 $0x108;
	_ =	swait.ge @!p0 [sflag:s8], $0x0  }
0x24: {  	s3 =	sadd.s32 $0x88, s3;
	s6 =	simm.s32 @!p1 $0x1082;
	[sflag:s4] =	ssyncset.s32 $0xFFFFF086  }
0x25: {  	[simem:s6], [sflag:s4] =	dma.local [hbm:s3], $0xF7A  }
0x26: {  	[smem:$0x3F9E] =	sst s1;
	(tag) =	ssettag s2;
	_ =	strace s9  }
0x27: {  	s1 =	sld [smem:$0x3FAE]  }
0x28: {  	s2 =	sld [smem:$0x3FAF]  }
0x29: {  	s4 =	sld [smem:$0x3FB1]  }
0x2a: {  	p0 =	seq.s32 s5, $0x0;
	s5 =	sld [smem:$0x3FB2]  }
0x2b: {  	s6 =	sld [smem:$0x3FB3]  }
0x2c: {  	s7 =	sld [smem:$0x3FB4]  }
0x2d: {  	s3 =	simm.s32 $0x108;
	s8 =	sld [smem:$0x3FB5]  }
0x2e: {  	s3 =	simm.s32 @!p0 $0x1082;
	s9 =	sld [smem:$0x3FB6]  }
0x2f: {  	lr =	sadd.s32 s0, s3;
	s0 =	sld [smem:$0x3FAD]  }
0x30: {  	s3 =	sld [smem:$0x3FB0]  }
0x31: {  	[smem:$0x3FB9] =	sst s10  }
0x32: {  	s10 =	sld [smem:$0x3FB7];
	_ =	sdelay $0x3  }
0x33: {  	p0 =	seq.s32 s10, $0x1;
	s10 =	sld [smem:$0x3FB9];
	_ =	sdelay $0x3  }
0x34: {  	[smem:$0x3FB9] =	sst s10  }
0x35: {  	s10 =	sld [smem:$0x3FB8];
	_ =	sdelay $0x3  }
0x36: {  	p1 =	seq.s32 s10, $0x1;
	s10 =	sld [smem:$0x3FB9];
	_ =	sdelay $0x3  }
0x37: {  	[smem:$0x3FB9] =	sst s10  }
0x38: {  	s10 =	sld [smem:$0x3FBA]  }
0x39: {  	_ = 	snop;
	(pc) =	sbr.ind lr, $3  }
0x3a: {  	_ = 	snop  }
0x3b: {  	_ = 	snop  }
0x3c: {  	p2 =	seq.s32 s10, $0x1;
	s10 =	sld [smem:$0x3FB9]  }
0x3d: {  	_ =	shalt  }
0x3e: {  	_ =	shalt  }
0x3f: {  	_ =	shalt  }
0x40: {  	_ =	shalt  }
0x41: {  	_ =	shalt  }
0x42: {  	_ =	shalt  }
0x43: {  	_ =	shalt  }
0x44: {  	_ =	shalt  }
0x45: {  	_ =	shalt  }
0x46: {  	_ =	shalt  }
0x47: {  	_ =	shalt  }
0x48: {  	_ =	shalt  }
0x49: {  	_ =	shalt  }
0x4a: {  	_ =	shalt  }
0x4b: {  	_ =	shalt  }
0x4c: {  	_ =	shalt  }
0x4d: {  	_ =	shalt  }
0x4e: {  	_ =	shalt  }
0x4f: {  	_ =	shalt  }
0x50: {  	_ =	shalt  }
0x51: {  	_ =	shalt  }
0x52: {  	_ =	shalt  }
0x53: {  	_ =	shalt  }
0x54: {  	_ =	shalt  }
0x55: {  	_ =	shalt  }
0x56: {  	_ =	shalt  }
0x57: {  	_ =	shalt  }
0x58: {  	_ =	shalt  }
0x59: {  	_ =	shalt  }
0x5a: {  	_ =	shalt  }
0x5b: {  	_ =	shalt  }
0x5c: {  	_ =	shalt  }
0x5d: {  	_ =	shalt  }
0x5e: {  	_ =	shalt  }
0x5f: {  	_ =	shalt  }
0x60: {  	_ =	shalt  }
0x61: {  	_ =	shalt  }
0x62: {  	_ =	shalt  }
0x63: {  	_ =	shalt  }
0x64: {  	_ =	shalt  }
0x65: {  	_ =	shalt  }
0x66: {  	_ =	shalt  }
0x67: {  	_ =	shalt  }
0x68: {  	_ =	shalt  }
0x69: {  	_ =	shalt  }
0x6a: {  	_ =	shalt  }
0x6b: {  	_ =	shalt  }
0x6c: {  	_ =	shalt  }
0x6d: {  	_ =	shalt  }
0x6e: {  	_ =	shalt  }
0x6f: {  	_ =	shalt  }
0x70: {  	_ =	shalt  }
0x71: {  	_ =	shalt  }
0x72: {  	_ =	shalt  }
0x73: {  	_ =	shalt  }
0x74: {  	_ =	shalt  }
0x75: {  	_ =	shalt  }
0x76: {  	_ =	shalt  }
0x77: {  	_ =	shalt  }
0x78: {  	_ =	shalt  }
0x79: {  	_ =	shalt  }
0x7a: {  	_ =	shalt  }
0x7b: {  	_ =	shalt  }
0x7c: {  	_ =	shalt  }
0x7d: {  	_ =	shalt  }
0x7e: {  	_ =	shalt  }
0x7f: {  	_ =	shalt  }
0x80: {  	_ =	shalt  }
0x81: {  	_ =	shalt  }
0x82: {  	_ =	shalt  }
0x83: {  	_ =	shalt  }
0x84: {  	_ =	shalt  }
0x85: {  	_ =	shalt  }
0x86: {  	_ =	shalt  }
0x87: {  	_ =	shalt  }
.Lfunc_end0:
.L_simem_size_0:
called_computation_lowered:
.L_overlay_start_0:
0x88: {  	s2 =	sld [smem:$0x3FD9]  }
0x89: {  	s3 =	sld [smem:$0x3FFE];
	_ =	sdelay $0x1  }
0x8a: {  	s1 =	srdreg.scid  }
0x8b: {  	s0 =	sand.u32 $0x1, s1  }
0x8c: {  	s17 =	sshll.u32 s0, $0xA;
	s2 =	sadd.s32 s3, s2  }
0x8d: {  	s2 =	sadd.s32 s2, s17  }
0x8e: {  	[smem:$0x3FC5] =	sst s2  }
0x8f: {  	_ = 	snop  }
0x90: {  	s2 =	sld [smem:$0x3FD0];
	(tm) =	ssettm $0x1  }
0x91: {  	s18 =	sld [smem:$0x3FFB];
	_ =	sdelay $0x3  }
0x92: {  	_ =	strace s18  }
0x93: {  	s3 =	sld [smem:$0x3FFC];
	_ =	sdelay $0x3  }
0x94: {  	_ =	strace s3  }
0x95: {  	s3 =	sld [smem:$0x3FFD];
	_ =	sdelay $0x3  }
0x96: {  	_ =	strace s3  }
0x97: {  	_ =	strace $0x8FFFFFFF  }
0x98: {  	s19 =	sld [smem:$0x3FDB];
	_ =	sdelay $0x1  }
0x99: {  	s4 =	simm.s32 $_scs_section_size  }
0x9a: {  	s5 =	simm.s32 $_size__tile_overlayer_lowered;
	s6 =	simm.s32 $_tile_overlayer_lowered  }
0x9b: {  	s22 =	simm.s32 $0x1BFF;
	s21 =	sshll.u32 s6, $0x1;
	s3 =	sadd.s32 s4, s19  }
0x9c: {  	s7 =	simm.s32 $0x0;
	s20 =	sshll.u32 s5, $0x1;
	s5 =	sadd.s32 s21, s3  }
0x9d: {  	[timem:s7], [sflag:s22] =	dma.local [hbm:s5], s20  }
0x9e: {  	_ =	swait.ge [sflag:s22], s20  }
0x9f: {  	s4 =	ssub.s32 $0x0, s20;
	[sflag:s22] =	ssyncset.done $0x0  }
0xa0: {  	[sflag:s22] =	ssyncadd.s32 s4;
	_ =	sdelay $0x1  }
0xa1: {  	s23 =	simm.s32 $0x1B8B  }
0xa2: {  	_ =	swait.ge [sflag:s23], $0x1  }
0xa3: {  	[sflag:s23] =	ssyncset.done $0x0  }
0xa4: {  	s25 =	simm.s32 $0x1B8E;
	s24 =	sld [smem:$0x3FFE];
	[sflag:s23] =	ssyncadd.s32 $0xFFFFFFFF  }
0xa5: {  	s26 =	simm.s32 $execute0_lowered;
	[smem:$0x3FD2] =	sst s25  }
0xa6: {  	s5 =	sshll.u32 s26, $0x1;
	_ =	strace $0x80000046;
	[dreg:$0x1] =	wrdreg $0xFFFFFFFF  }
0xa7: {  	s28 =	simm.s32 $_size_execute0_lowered;
	s3 =	sadd.s32 s3, s5;
	[dreg:$0x0] =	wrdreg $0x0  }
0xa8: {  	s5 =	sshll.u32 s28, $0x1;
	[dreg:$0x2] =	wrdreg s3  }
0xa9: {  	[dreg:$0x3] =	wrdreg s5  }
0xaa: {  	[dreg:$0x4] =	wrdreg $0xC0  }
0xab: {  	_ =	task [dreg:s7], $0x5FFFF  }
0xac: {  	[dreg:$0x1] =	wrdreg $0xFFFFFFFF  }
0xad: {  	[dreg:$0x0] =	wrdreg $0x60  }
0xae: {  	[dreg:$0x2] =	wrdreg s24  }
0xaf: {  	[dreg:$0x3] =	wrdreg s2  }
0xb0: {  	[dreg:$0x4] =	wrdreg $0x0  }
0xb1: {  	[dreg:$0x5] =	wrdreg $0x9  }
0xb2: {  	_ =	task.clear_ibuf [dreg:s7], $0x6FFFF;
	_ =	strace $0x90000046  }
0xb3: {  	s29 =	simm.s32 $0x9;
	_ =	strace $0x80000048  }
0xb4: {  	_ =	swait.ge [sflag:s29], $0x1  }
0xb5: {  	[sflag:s29] =	ssyncadd.s32 $0xFFFFFFFF  }
0xb6: {  	_ =	strace $0x90000048  }
0xb7: {  	_ =	sfence  }
0xb8: {  	s30 =	sld [smem:$0x0];
	_ =	sdelay $0x2  }
0xb9: {  	s31 =	sshll.u32 s1, $0xD;
	s1 =	sshrl.u32 s1, $0x2  }
0xba: {  	s3 =	sand.u32 $0x4000, s31;
	s1 =	sadd.s32 s1, s30  }
0xbb: {  	s0 =	sor.u32 s3, s0;
	s1 =	sshll.u32 s1, $0x11  }
0xbc: {  	s0 =	sor.u32 s1, s0  }
0xbd: {  	s0 =	sadd.s32 $0x8F2B, s0  }
0xbe: {  	[sflag:s0] =	ssyncadd.remote.s32 $0x1  }
0xbf: {  	_ =	sfence.sel $0xFFFF  }
0xc0: {  	[dreg:$0x0] =	wrdreg $0xFFFFFFFF;
	(pc) =	sbr.abs _section_cstart, $3  }
0xc1: {  	[dreg:$0x1] =	wrdreg $0xFFFFFFFF  }
0xc2: {  	_ =	task.clear_ibuf [dreg:s7], $0x2FFFF;
	_ =	strace $0x9FFFFFFF  }
0xc3: {  	(tm) =	ssettm $0x7FFFFFFF  }
tec
execute0_lowered:
.L_overlay_start_1:
0x0: {  	(tag) =	ssettag $0x1  }
0x1: {  	s0 =	rddreg [dreg:$0x0]  }
0x2: {  	s11 =	rddreg [dreg:$0x1]  }
0x3: {  	s2 =	rddreg [dreg:$0x2];
	s1 =	stileid.u32  }
0x4: {  	s3 =	simm.s32 $0x0;
	s5 =	srdreg.scid;
	s13 =	simm.s32 $0x3520  }
0x5: {  	s14 =	simm.s32 $0x1;
	s15 =	simm.s32 $0x8;
	s16 =	simm.s32 $0xC8  }
0x6: {  	s19 =	simm.s32 $0x2;
	s20 =	simm.s32 $0x9;
	s28 =	simm.s32 $0x80  }
0x7: {  	s29 =	simm.s32 $0xFD20;
	s17 =	simm.s32 $0x6;
	s18 =	simm.s32 $0xD  }
0x8: {  	s21 =	simm.s32 $0x10;
	s4 =	smul.u32 $0x1900, s1;
	[smem:$0x7FF] =	sst s3  }
0x9: {  	s5 =	sand.u32 $0x1, s5;
	s25 =	smul.u32 $0xC8000, s1;
	s26 =	sshll.u32 s1, $0x8  }
0xa: {  	p0 =	sne.s32 s1, $0x0;
	s1 =	simm.s32 $0xC;
	_ =	strace $0x80000047  }
0xb: {  	s7 =	ssub.s32 $0x2, s5;
	s9 =	smul.u32 $0xC80, s5;
	s10 =	sshll.u32 s5, $0x7  }
0xc: {  	s6 =	sadd.s32 s4, s0;
	s4 =	sadd.s32 $0x19C00, s0;
	s0 =	sadd.s32 $0x400, s0  }
0xd: {  	s5 =	smul.u32 $0x64000, s5;
	s8 =	sshrl.u32 s7, $0x1;
	[dreg:$0x4] =	wrdreg s0  }
0xe: {  	s24 =	ssub.s32 s7, s8;
	s8 =	sor.u32 s10, s26;
	s6 =	sadd.s32 s9, s6  }
0xf: {  	s7 =	sadd.s32 s25, s11;
	s11 =	simm.s32 $0x320;
	s26 =	simm.s32 $0x40  }
.Ltmp0:
0x10: {  	s9 =	simm.s32 $0x5;
	s10 =	simm.s32 $0x0;
	(pc) =	sbr.rel .LBB2_1-.Ltmp0, $4  }
0x11: {  	s25 =	simm.s32 $0x16120;
	[dreg:$0x5] =	wrdreg s8;
	s0 =	smax.u32 s24, $0x1  }
0x12: {  	s30 =	sadd.s32 $0xC00, s6;
	s31 =	sadd.s32 s5, s7;
	[dreg:$0x6] =	wrdreg s0  }
0x13: {  	s5 =	simm.s32 $0xB;
	[dreg:$0x7] =	wrdreg s30;
	s0 =	sadd.s32 $0xC80, s31  }
0x14: {  	s6 =	simm.s32 $0xF;
	[dreg:$0x8] =	wrdreg s0;
	s0 =	simm.s32 $0x4  }
.LBB2_24:
0x15: {  	s7 =	simm.s32 $0x18  }
0x16: {  	_ =	swait.ge [sflag:s7], $0x3200  }
0x17: {  	[sflag:s7] =	ssyncset.done $0x0  }
0x18: {  	s12 =	simm.s32 $0x19;
	[sflag:s7] =	ssyncadd.s32 $0xFFFFCE00  }
0x19: {  	_ =	swait.ge [sflag:s12], $0x3200  }
0x1a: {  	[sflag:s12] =	ssyncset.done $0x0  }
0x1b: {  	s22 =	simm.s32 $0x1A;
	[sflag:s12] =	ssyncadd.s32 $0xFFFFCE00  }
0x1c: {  	_ =	swait.ge [sflag:s22], $0x3200  }
0x1d: {  	[sflag:s22] =	ssyncset.done $0x0  }
0x1e: {  	s23 =	simm.s32 $0x1B;
	[sflag:s22] =	ssyncadd.s32 $0xFFFFCE00  }
0x1f: {  	_ =	swait.ge [sflag:s23], $0x3200  }
0x20: {  	[sflag:s23] =	ssyncset.done $0x0  }
0x21: {  	s24 =	simm.s32 $0x1C;
	[sflag:s23] =	ssyncadd.s32 $0xFFFFCE00  }
0x22: {  	_ =	swait.ge [sflag:s24], $0x3200  }
0x23: {  	[sflag:s24] =	ssyncset.done $0x0  }
0x24: {  	s30 =	simm.s32 $0x16;
	[sflag:s24] =	ssyncadd.s32 $0xFFFFCE00  }
0x25: {  	_ =	swait.ge [sflag:s30], $0x3200  }
0x26: {  	[sflag:s30] =	ssyncset.done $0x0  }
0x27: {  	s8 =	simm.s32 $0x17;
	[sflag:s30] =	ssyncadd.s32 $0xFFFFCE00  }
0x28: {  	_ =	swait.ge [sflag:s8], $0x3200  }
0x29: {  	s10 =	rddreg [dreg:$0x9]  }
0x2a: {  	s31 =	rddreg [dreg:$0x6];
	s10 =	sadd.s32 $0x1, s10  }
0x2b: {  	p1 =	sne.s32 s10, s31  }
.Ltmp1:
0x2c: {  	_ = 	snop;
	(pc) =	sbr.rel @!p1 .LBB2_25-.Ltmp1, $3  }
0x2d: {  	_ =	sdelay $0x1  }
0x2e: {  	[sflag:s8] =	ssyncset.done $0x0  }
0x2f: {  	[sflag:s8] =	ssyncadd.s32 $0xFFFFCE00  }
.LBB2_1:
0x30: {  	[dreg:$0x9] =	wrdreg s10  }
0x31: {  	s7 =	simm.s32 @!p0 $0x0;
	s8 =	simm.s32 @!p0 $0x320;
	s10 =	rddreg [dreg:$0x4]  }
0x32: {  	[tilespmem:s8], [sflag:$0x1D] =	stream.linear.gather @!p0 [hbm4b:s10+s7], $0x3200, $0x38;
	[tilespmem:$0x16698] =	vst v63  }
0x33: {  	s7 =	simm.s32 @!p0 $0x1D  }
0x34: {  	_ =	swait.ge @!p0 [sflag:s7], $0x3200  }
0x35: {  	[sflag:s7] =	ssyncset.done @!p0 $0x0  }
0x36: {  	[sflag:s7] =	ssyncadd.s32 @!p0 $0xFFFFCE00  }
0x37: {  	[spmem:s2] =	stream.linear.scatter @!p0 [tilespmem:s8], [sflag:$0x1D], $0x3200, $0x38;
	[tilespmem:$0x16698] =	vst v63  }
.Ltmp2:
0x38: {  	_ =	swait.ge @!p0 [sflag:s7], $0x3200;
	(pc) =	sbr.rel .LBB2_2-.Ltmp2, $4  }
0x39: {  	[sflag:s7] =	ssyncset.done @!p0 $0x0  }
0x3a: {  	[sflag:s7] =	ssyncadd.s32 @!p0 $0xFFFFCE00  }
0x3b: {  	s22 =	simm.s32 $0xFFFFFFFB;
	[bflag:$0x0] =	sbarrier.arrive $0xFFFF  }
0x3c: {  	s31 =	simm.s32 $0x0;
	s7 =	simm.s32 $0x0;
	s30 =	rddreg [dreg:$0x8]  }
.LBB2_22:
0x3d: {  	s8 =	sadd.s32 $0x96, s8;
	s10 =	simm.s32 $0x165D0  }
0x3e: {  	[tilespmem:s10], [sflag:$0x7] =	stream.linear.gather [hbm4b:s8+s3], $0xC8, $0x38;
	[tilespmem:$0x16698] =	vst v63  }
0x3f: {  	s23 =	simm.s32 $0x12F20  }
0x40: {  	[tilespmem:s23], [sflag:$0xE] =	stream.linear.gather [spmem:s2], $0x3200, $0x38;
	[tilespmem:$0x16698] =	vst v63  }
0x41: {  	_ =	swait.ge [sflag:s17], $0xC8  }
0x42: {  	[sflag:s17] =	ssyncset.done $0x0  }
0x43: {  	[sflag:s17] =	ssyncadd.s32 $0xFFFFFF38  }
0x44: {  	_ =	swait.ge [sflag:s18], $0x3200  }
0x45: {  	[sflag:s18] =	ssyncset.done $0x0  }
0x46: {  	s24 =	simm.s32 $0x16508;
	[sflag:s18] =	ssyncadd.s32 $0xFFFFCE00  }
0x47: {  	[tilespmem:s29], [sflag:$0x14] =	stream.indirect.gather.add.f32 [hbm:s4], $0x40, s24, s16, $0xb8;
	[tilespmem:$0x16698] =	vst v63  }
.LBB2_23:
0x48: {  	s31 =	sadd.s32 $0xAF, s31  }
0x49: {  	p1 =	sne.s32 s31, $0xCFD  }
.Ltmp3:
0x4a: {  	_ =	swait.ge [sflag:s21], $0x3200;
	(pc) =	sbr.rel @!p1 .LBB2_24-.Ltmp3, $4  }
0x4b: {  	[sflag:s21] =	ssyncset.done $0x0  }
0x4c: {  	[sflag:s21] =	ssyncadd.s32 $0xFFFFCE00  }
0x4d: {  	[hbm4b:s30+s26] =	stream.strided.scatter [tilespmem:s13], [sflag:$0x17], $0x3200, s28, s26, $0x38;
	[tilespmem:$0x16698] =	vst v63  }
0x4e: {  	s7 =	sadd.s32 $0x1, s7;
	s22 =	sadd.s32 $0x7, s22;
	s30 =	sadd.s32 $0x5780, s30  }
.LBB2_2:
0x4f: {  	p2 =	seq.s32 s31, $0x0  }
0x50: {  	s8 =	simm.s32 @!p2 $0x16  }
0x51: {  	_ =	swait.ge @!p2 [sflag:s8], $0x3200  }
0x52: {  	[sflag:s8] =	ssyncset.done @!p2 $0x0;
	s10 =	rddreg [dreg:$0x7]  }
0x53: {  	[sflag:s8] =	ssyncadd.s32 @!p2 $0xFFFFCE00;
	s8 =	sadd.s32 s31, s10;
	s10 =	sadd.s32 $0x4, s22  }
0x54: {  	[tilespmem:s25], [sflag:$0x1] =	stream.linear.gather [hbm4b:s8+s3], $0xC8, $0x38;
	[tilespmem:$0x16698] =	vst v63  }
0x55: {  	p1 =	sgt.u32 s10, $0x7F  }
0x56: {  	s10 =	simm.s32 @!p1 $0x7  }
0x57: {  	[tilespmem:s11], [sflag:$0x8] =	stream.linear.gather [spmem:s2], $0x3200, $0x38;
	[tilespmem:$0x16698] =	vst v63  }
0x58: {  	_ =	swait.ge @!p1 [sflag:s10], $0xC8  }
0x59: {  	[sflag:s10] =	ssyncset.done @!p1 $0x0  }
0x5a: {  	[sflag:s10] =	ssyncadd.s32 @!p1 $0xFFFFFF38;
	s10 =	simm.s32 @!p1 $0xE  }
0x5b: {  	s12 =	simm.s32 @!p1 $0x165D0;
	_ =	swait.ge @!p1 [sflag:s10], $0x3200  }
0x5c: {  	s23 =	simm.s32 @!p1 $0x12F20;
	p3 =	sgt.u32 @!p1 s22, $0x7F;
	[sflag:s10] =	ssyncset.done @!p1 $0x0  }
0x5d: {  	p3 =	por p3, p1;
	[sflag:s10] =	ssyncadd.s32 @!p1 $0xFFFFCE00;
	s10 =	simm.s32 @!p1 $0xC8  }
0x5e: {  	[tilespmem:s23], [sflag:$0x15] =	stream.indirect.gather.add.f32 @!p1 [hbm:s4], $0x40, s12, s10, $0xb8;
	[tilespmem:$0x16698] =	vst v63  }
0x5f: {  	s10 =	simm.s32 @!p3 $0x11  }
0x60: {  	_ =	swait.ge @!p3 [sflag:s10], $0x3200  }
0x61: {  	s24 =	simm.s32 @!p3 $0x6720;
	s12 =	simm.s32 @!p3 $0x40;
	[sflag:s10] =	ssyncset.done @!p3 $0x0  }
0x62: {  	s23 =	simm.s32 @!p3 $0x80;
	[sflag:s10] =	ssyncadd.s32 @!p3 $0xFFFFCE00;
	s10 =	sadd.s32 @!p3 $0xFFFFB500, s30  }
0x63: {  	[hbm4b:s10+s12] =	stream.strided.scatter @!p3 [tilespmem:s24], [sflag:$0x18], $0x3200, s23, s12, $0x38;
	[tilespmem:$0x16698] =	vst v63  }
0x64: {  	s10 =	simm.s32 @!p2 $0x17  }
0x65: {  	_ =	swait.ge @!p2 [sflag:s10], $0x3200  }
0x66: {  	[sflag:s10] =	ssyncset.done @!p2 $0x0  }
0x67: {  	s12 =	sadd.s32 $0x19, s8;
	s23 =	simm.s32 $0x161E8;
	[sflag:s10] =	ssyncadd.s32 @!p2 $0xFFFFCE00  }
0x68: {  	[tilespmem:s23], [sflag:$0x2] =	stream.linear.gather [hbm4b:s12+s3], $0xC8, $0x38;
	[tilespmem:$0x16698] =	vst v63  }
0x69: {  	_ = 	snop  }
0x6a: {  	[tilespmem:s13], [sflag:$0x9] =	stream.linear.gather [spmem:s2], $0x3200, $0x38;
	[tilespmem:$0x16698] =	vst v63  }
0x6b: {  	_ =	swait.ge [sflag:s14], $0xC8  }
0x6c: {  	[sflag:s14] =	ssyncset.done $0x0  }
0x6d: {  	[sflag:s14] =	ssyncadd.s32 $0xFFFFFF38  }
0x6e: {  	s24 =	sadd.s32 $0x1, s22;
	_ =	swait.ge [sflag:s15], $0x3200  }
0x6f: {  	p2 =	sgt.u32 s24, $0x7F;
	[sflag:s15] =	ssyncset.done $0x0  }
0x70: {  	s10 =	simm.s32 @!p2 $0x12;
	[sflag:s15] =	ssyncadd.s32 $0xFFFFCE00  }
0x71: {  	[tilespmem:s11], [sflag:$0xF] =	stream.indirect.gather.add.f32 [hbm:s4], $0x40, s25, s16, $0xb8;
	[tilespmem:$0x16698] =	vst v63  }
0x72: {  	_ =	swait.ge @!p2 [sflag:s10], $0x3200  }
0x73: {  	s12 =	simm.s32 @!p2 $0x40;
	s23 =	simm.s32 @!p2 $0x80;
	[sflag:s10] =	ssyncset.done @!p2 $0x0  }
0x74: {  	s24 =	simm.s32 @!p2 $0x9920;
	[sflag:s10] =	ssyncadd.s32 @!p2 $0xFFFFCE00;
	s10 =	sadd.s32 @!p2 $0xFFFFC180, s30  }
0x75: {  	[hbm4b:s10+s12] =	stream.strided.scatter @!p2 [tilespmem:s24], [sflag:$0x19], $0x3200, s23, s12, $0x38;
	[tilespmem:$0x16698] =	vst v63  }
0x76: {  	p2 =	seq.s32 s7, $0x0  }
.Ltmp4:
0x77: {  	_ = 	snop;
	(pc) =	sbr.rel @p2 .LBB2_5-.Ltmp4, $1  }
0x78: {  	_ =	sdelay $0x3  }
0x79: {  	p3 =	seq.s32 s7, $0x12  }
.Ltmp5:
0x7a: {  	_ = 	snop;
	(pc) =	sbr.rel @p3 .LBB2_6-.Ltmp5, $1  }
0x7b: {  	_ =	sdelay $0x3  }
0x7c: {  	s10 =	simm.s32 $0x18  }
0x7d: {  	_ =	swait.ge [sflag:s10], $0x3200  }
0x7e: {  	[sflag:s10] =	ssyncset.done $0x0  }
0x7f: {  	[sflag:s10] =	ssyncadd.s32 $0xFFFFCE00  }
.LBB2_5:
0x80: {  	s10 =	sadd.s32 $0x32, s8;
	s12 =	simm.s32 $0x162B0  }
0x81: {  	[tilespmem:s12], [sflag:$0x3] =	stream.linear.gather [hbm4b:s10+s3], $0xC8, $0x38;
	[tilespmem:$0x16698] =	vst v63  }
0x82: {  	s24 =	simm.s32 $0x6720  }
0x83: {  	[tilespmem:s24], [sflag:$0xA] =	stream.linear.gather [spmem:s2], $0x3200, $0x38;
	[tilespmem:$0x16698] =	vst v63  }
.LBB2_6:
0x84: {  	_ =	swait.ge [sflag:s19], $0xC8  }
0x85: {  	[sflag:s19] =	ssyncset.done $0x0  }
0x86: {  	[sflag:s19] =	ssyncadd.s32 $0xFFFFFF38  }
0x87: {  	_ =	swait.ge [sflag:s20], $0x3200  }
0x88: {  	s24 =	sadd.s32 $0x2, s22;
	[sflag:s20] =	ssyncset.done $0x0  }
0x89: {  	s10 =	simm.s32 $0x161E8;
	p3 =	sgt.u32 s24, $0x7F;
	[sflag:s20] =	ssyncadd.s32 $0xFFFFCE00  }
0x8a: {  	[tilespmem:s13], [sflag:$0x10] =	stream.indirect.gather.add.f32 [hbm:s4], $0x40, s10, s16, $0xb8;
	[tilespmem:$0x16698] =	vst v63  }
.Ltmp6:
0x8b: {  	s10 =	simm.s32 @!p3 $0x13;
	(pc) =	sbr.rel @p2 .LBB2_9-.Ltmp6, $4  }
0x8c: {  	_ =	swait.ge @!p3 [sflag:s10], $0x3200  }
0x8d: {  	s12 =	simm.s32 @!p3 $0x40;
	s23 =	simm.s32 @!p3 $0x80;
	[sflag:s10] =	ssyncset.done @!p3 $0x0  }
0x8e: {  	s24 =	simm.s32 @!p3 $0xCB20;
	[sflag:s10] =	ssyncadd.s32 @!p3 $0xFFFFCE00;
	s10 =	sadd.s32 @!p3 $0xFFFFCE00, s30  }
0x8f: {  	[hbm4b:s10+s12] =	stream.strided.scatter @!p3 [tilespmem:s24], [sflag:$0x1A], $0x3200, s23, s12, $0x38;
	[tilespmem:$0x16698] =	vst v63  }
0x90: {  	p3 =	seq.s32 s7, $0x12  }
.Ltmp7:
0x91: {  	_ = 	snop;
	(pc) =	sbr.rel @p3 .LBB2_10-.Ltmp7, $2  }
0x92: {  	_ =	sdelay $0x2  }
0x93: {  	s10 =	simm.s32 $0x7C  }
0x94: {  	s10 =	simm.s32 $0x19  }
0x95: {  	_ =	swait.ge [sflag:s10], $0x3200  }
0x96: {  	[sflag:s10] =	ssyncset.done $0x0  }
0x97: {  	[sflag:s10] =	ssyncadd.s32 $0xFFFFCE00  }
.LBB2_9:
0x98: {  	s10 =	sadd.s32 $0x4B, s8;
	s12 =	simm.s32 $0x16378  }
0x99: {  	[tilespmem:s12], [sflag:$0x4] =	stream.linear.gather [hbm4b:s10+s3], $0xC8, $0x38;
	[tilespmem:$0x16698] =	vst v63  }
0x9a: {  	s23 =	simm.s32 $0x9920;
	s24 =	simm.s32 $0x3  }
0x9b: {  	[tilespmem:s23], [sflag:$0xB] =	stream.linear.gather [spmem:s2], $0x3200, $0x38;
	[tilespmem:$0x16698] =	vst v63  }
0x9c: {  	s10 =	sadd.s32 $0x3, s22;
	_ =	swait.ge [sflag:s24], $0xC8  }
0x9d: {  	p3 =	sgt.u32 s10, $0x7F;
	[sflag:s24] =	ssyncset.done $0x0  }
.Ltmp8:
0x9e: {  	s12 =	simm.s32 $0xA;
	[sflag:s24] =	ssyncadd.s32 $0xFFFFFF38;
	(pc) =	sbr.rel @p3 .LBB2_11-.Ltmp8, $4  }
0x9f: {  	_ =	swait.ge [sflag:s12], $0x3200  }
0xa0: {  	[sflag:s12] =	ssyncset.done $0x0  }
0xa1: {  	s23 =	simm.s32 $0x162B0;
	s24 =	simm.s32 $0x6720;
	[sflag:s12] =	ssyncadd.s32 $0xFFFFCE00  }
0xa2: {  	[tilespmem:s24], [sflag:$0x11] =	stream.indirect.gather.add.f32 [hbm:s4], $0x40, s23, s16, $0xb8;
	[tilespmem:$0x16698] =	vst v63  }
.LBB2_10:
0xa3: {  	s24 =	simm.s32 $0x14  }
0xa4: {  	s12 =	rddreg [dreg:$0x5];
	_ =	swait.ge [sflag:s24], $0x3200  }
0xa5: {  	s10 =	sor.u32 s12, s10;
	[sflag:s24] =	ssyncset.done $0x0  }
0xa6: {  	s10 =	smul.u32 $0xC80, s10;
	[sflag:s24] =	ssyncadd.s32 $0xFFFFCE00  }
0xa7: {  	s12 =	rddreg [dreg:$0x1]  }
0xa8: {  	s10 =	sadd.s32 s12, s10  }
0xa9: {  	[hbm4b:s10+s26] =	stream.strided.scatter [tilespmem:s29], [sflag:$0x1B], $0x3200, s28, s26, $0x38;
	[tilespmem:$0x16698] =	vst v63  }
.LBB2_11:
.Ltmp9:
0xaa: {  	(pc) =	sbr.rel @p2 .LBB2_14-.Ltmp9, $1  }
0xab: {  	_ =	sdelay $0x3  }
0xac: {  	p3 =	seq.s32 s7, $0x12  }
.Ltmp10:
0xad: {  	_ = 	snop;
	(pc) =	sbr.rel @p3 .LBB2_15-.Ltmp10, $1  }
0xae: {  	_ =	sdelay $0x3  }
0xaf: {  	s10 =	simm.s32 $0x1A  }
0xb0: {  	_ =	swait.ge [sflag:s10], $0x3200  }
0xb1: {  	[sflag:s10] =	ssyncset.done $0x0  }
0xb2: {  	[sflag:s10] =	ssyncadd.s32 $0xFFFFCE00  }
.LBB2_14:
0xb3: {  	s10 =	sadd.s32 $0x64, s8;
	s12 =	simm.s32 $0x16440  }
0xb4: {  	[tilespmem:s12], [sflag:$0x5] =	stream.linear.gather [hbm4b:s10+s3], $0xC8, $0x38;
	[tilespmem:$0x16698] =	vst v63  }
0xb5: {  	s12 =	simm.s32 $0xCB20  }
0xb6: {  	[tilespmem:s12], [sflag:$0xC] =	stream.linear.gather [spmem:s2], $0x3200, $0x38;
	[tilespmem:$0x16698] =	vst v63  }
0xb7: {  	_ =	swait.ge [sflag:s0], $0xC8  }
0xb8: {  	[sflag:s0] =	ssyncset.done $0x0  }
0xb9: {  	[sflag:s0] =	ssyncadd.s32 $0xFFFFFF38  }
0xba: {  	_ =	swait.ge [sflag:s5], $0x3200  }
0xbb: {  	[sflag:s5] =	ssyncset.done $0x0  }
0xbc: {  	s23 =	simm.s32 $0x16378;
	s24 =	simm.s32 $0x9920;
	[sflag:s5] =	ssyncadd.s32 $0xFFFFCE00  }
0xbd: {  	[tilespmem:s24], [sflag:$0x12] =	stream.indirect.gather.add.f32 [hbm:s4], $0x40, s23, s16, $0xb8;
	[tilespmem:$0x16698] =	vst v63  }
.LBB2_15:
.Ltmp11:
0xbe: {  	s10 =	simm.s32 @!p1 $0x15;
	(pc) =	sbr.rel @p2 .LBB2_18-.Ltmp11, $4  }
0xbf: {  	_ =	swait.ge @!p1 [sflag:s10], $0x3200  }
0xc0: {  	s12 =	simm.s32 @!p1 $0x40;
	s23 =	simm.s32 @!p1 $0x80;
	[sflag:s10] =	ssyncset.done @!p1 $0x0  }
0xc1: {  	s24 =	simm.s32 @!p1 $0x12F20;
	[sflag:s10] =	ssyncadd.s32 @!p1 $0xFFFFCE00;
	s10 =	sadd.s32 @!p1 $0xFFFFE700, s30  }
0xc2: {  	[hbm4b:s10+s12] =	stream.strided.scatter @!p1 [tilespmem:s24], [sflag:$0x1C], $0x3200, s23, s12, $0x38;
	[tilespmem:$0x16698] =	vst v63  }
0xc3: {  	p1 =	seq.s32 s7, $0x12  }
.Ltmp12:
0xc4: {  	_ = 	snop;
	(pc) =	sbr.rel @p1 .LBB2_19-.Ltmp12, $1  }
0xc5: {  	_ =	sdelay $0x3  }
0xc6: {  	s10 =	simm.s32 $0x1B  }
0xc7: {  	_ =	swait.ge [sflag:s10], $0x3200  }
0xc8: {  	[sflag:s10] =	ssyncset.done $0x0  }
0xc9: {  	[sflag:s10] =	ssyncadd.s32 $0xFFFFCE00  }
.LBB2_18:
0xca: {  	s10 =	sadd.s32 $0x7D, s8;
	s12 =	simm.s32 $0x16508  }
0xcb: {  	[tilespmem:s12], [sflag:$0x6] =	stream.linear.gather [hbm4b:s10+s3], $0xC8, $0x38;
	[tilespmem:$0x16698] =	vst v63  }
0xcc: {  	_ = 	snop  }
0xcd: {  	[tilespmem:s29], [sflag:$0xD] =	stream.linear.gather [spmem:s2], $0x3200, $0x38;
	[tilespmem:$0x16698] =	vst v63  }
0xce: {  	_ =	swait.ge [sflag:s9], $0xC8  }
0xcf: {  	[sflag:s9] =	ssyncset.done $0x0  }
0xd0: {  	[sflag:s9] =	ssyncadd.s32 $0xFFFFFF38  }
0xd1: {  	_ =	swait.ge [sflag:s1], $0x3200  }
0xd2: {  	[sflag:s1] =	ssyncset.done $0x0  }
0xd3: {  	s23 =	simm.s32 $0x16440;
	s24 =	simm.s32 $0xCB20;
	[sflag:s1] =	ssyncadd.s32 $0xFFFFCE00  }
0xd4: {  	[tilespmem:s24], [sflag:$0x13] =	stream.indirect.gather.add.f32 [hbm:s4], $0x40, s23, s16, $0xb8;
	[tilespmem:$0x16698] =	vst v63  }
.LBB2_19:
.Ltmp13:
0xd5: {  	(pc) =	sbr.rel @p2 .LBB2_22-.Ltmp13, $4  }
0xd6: {  	_ =	swait.ge [sflag:s6], $0x3200  }
0xd7: {  	[sflag:s6] =	ssyncset.done $0x0  }
0xd8: {  	s10 =	sadd.s32 $0xFFFFF380, s30;
	[sflag:s6] =	ssyncadd.s32 $0xFFFFCE00  }
0xd9: {  	[hbm4b:s10+s26] =	stream.strided.scatter [tilespmem:s11], [sflag:$0x16], $0x3200, s28, s26, $0x38;
	[tilespmem:$0x16698] =	vst v63  }
0xda: {  	p1 =	seq.s32 s7, $0x12  }
.Ltmp14:
0xdb: {  	_ = 	snop;
	(pc) =	sbr.rel @p1 .LBB2_23-.Ltmp14, $1  }
0xdc: {  	_ =	sdelay $0x3  }
.Ltmp15:
0xdd: {  	(pc) =	sbr.rel .LBB2_22-.Ltmp15, $4  }
0xde: {  	s10 =	simm.s32 $0x1C  }
0xdf: {  	_ =	swait.ge [sflag:s10], $0x3200  }
0xe0: {  	[sflag:s10] =	ssyncset.done $0x0  }
0xe1: {  	[sflag:s10] =	ssyncadd.s32 $0xFFFFCE00  }
.LBB2_25:
0xe2: {  	_ =	sfence.sel $0x180000  }
0xe3: {  	[bflag:$0x0] =	sbarrier.arrive $0xFFFF  }
0xe4: {  	_ =	strace $0x90000047  }
0xe5: {  	[bflag:$0x2] =	sbarrier.arrive $0xFFFF  }
0xe6: {  	s0 =	rddreg [dreg:$0x3]  }
0xe7: {  	s0 =	sadd.s32 @!p0 $0x100000, s0  }
0xe8: {  	[sflag:s0] =	ssyncadd.tile.s32 @!p0 $0x1;
	_ =	shalt  }
.Lfunc_end2:
_tile_overlayer_lowered:
.L_overlay_start_2:
0xe9: {  	(tag) =	ssettag $0x2  }
0xea: {  	s0 =	rddreg [dreg:$0x0];
	s2 =	stileid.u32  }
0xeb: {  	s1 =	rddreg [dreg:$0x1];
	p0 =	sne.s32 s2, $0x0  }
0xec: {  	s3 =	rddreg [dreg:$0x2];
	[bflag:$0x3] =	sbarrier.arrive $0xFFFF;
	s2 =	simm.s32 @!p0 $0x1C1D  }
0xed: {  	[timem:s3], [sflag:s2] =	dma.local @!p0 [hbm:s0], s1  }
0xee: {  	s0 =	simm.s32 @!p0 $0x1D  }
0xef: {  	_ =	swait.ge @!p0 [sflag:s0], s1  }
0xf0: {  	s1 =	ssub.s32 @!p0 $0x0, s1;
	[sflag:s0] =	ssyncset.done @!p0 $0x0  }
0xf1: {  	[sflag:s0] =	ssyncadd.s32 @!p0 s1  }
0xf2: {  	[bflag:$0x3] =	sbarrier.arrive $0xFFFF  }
0xf3: {  	_ =	shalt  }

</sc_bundles>
